<compile_context>
chip_gen: v7x
topology: tpu7x:2x2x1
jax: 0.10.2.dev20260603
libtpu: 0.0.44.dev20260713+nightly
codegen_flags: <defaults>
</compile_context>

<pallas_src>
import functools

import jax
import jax.numpy as jnp
from jax import lax
from jax.experimental import pallas as pl
from jax.experimental.pallas import tpu as pltpu
from jax.experimental.pallas import tpu_sc as plsc

NN = 10000
NP = 10240
EE = 160000
EP = 163840
NC = 2
NS = 16
NW = NC * NS
EW = EP // NW
CH = 64
NCH = EW // CH
RPT = NP // NS
D_HID = 128
NBUF = 3


def _sc_mesh():
    return plsc.VectorSubcoreMesh(core_axis_name="c", subcore_axis_name="s",
                                  num_cores=NC, num_subcores=NS)


DCH = 128
DNCH = EW // DCH


@functools.partial(
    pl.kernel,
    out_type=jax.ShapeDtypeStruct((NC, NP), jnp.float32),
    mesh=_sc_mesh(),
    scratch_types=[
        pltpu.VMEM((DNCH, DCH), jnp.int32),
        pltpu.VMEM((DCH,), jnp.float32),
        pltpu.VMEM((RPT,), jnp.float32),
        pltpu.VMEM_SHARED((NP,), jnp.float32),
    ],
)
def _deg_kernel(dstm_hbm, degp_hbm, dst_v, ones_v, zz_v, deg_sh):
    cid = lax.axis_index("c")
    sid = lax.axis_index("s")
    wid = sid * NC + cid

    @pl.loop(0, DCH // 16)
    def _fill_ones(i):
        ones_v[pl.ds(i * 16, 16)] = jnp.ones((16,), jnp.float32)

    @pl.loop(0, RPT // 16)
    def _fill_zero(i):
        zz_v[pl.ds(i * 16, 16)] = jnp.zeros((16,), jnp.float32)

    pltpu.sync_copy(dstm_hbm.at[wid], dst_v)
    pltpu.sync_copy(zz_v, deg_sh.at[pl.ds(sid * RPT, RPT)])
    plsc.subcore_barrier()

    @pl.loop(0, DNCH)
    def _scatter(j):
        pltpu.sync_copy(ones_v, deg_sh.at[dst_v.at[j]], add=True)

    plsc.subcore_barrier()
    pltpu.sync_copy(deg_sh.at[pl.ds(sid * RPT, RPT)],
                    degp_hbm.at[cid, pl.ds(sid * RPT, RPT)])


@functools.partial(
    pl.kernel,
    out_type=jax.ShapeDtypeStruct((NC, NP, D_HID), jnp.float32),
    mesh=_sc_mesh(),
    scratch_types=[
        pltpu.VMEM((NCH, CH), jnp.int32),
        pltpu.VMEM((NCH, CH), jnp.int32),
        pltpu.VMEM((NBUF, CH, D_HID), jnp.float32),
        pltpu.VMEM_SHARED((NP, D_HID), jnp.float32),
        pltpu.SemaphoreType.DMA,
    ],
)
def _agg_kernel(g_hbm, srcm_hbm, dstm_hbm, acc_hbm,
                src_v, dst_v, rows_v, acc_sh, sem):
    cid = lax.axis_index("c")
    sid = lax.axis_index("s")
    wid = sid * NC + cid

    @pl.loop(0, 64)
    def _zrow(r):
        @pl.loop(0, D_HID // 16)
        def _zcol(c):
            rows_v[0, r, pl.ds(c * 16, 16)] = jnp.zeros((16,), jnp.float32)

    pltpu.sync_copy(srcm_hbm.at[wid], src_v)
    pltpu.sync_copy(dstm_hbm.at[wid], dst_v)

    @pl.loop(0, RPT // 64)
    def _zinit(k):
        pltpu.sync_copy(rows_v.at[0, pl.ds(0, 64)],
                        acc_sh.at[pl.ds(sid * RPT + k * 64, 64)])

    plsc.subcore_barrier()

    for j in range(NBUF - 1):
        pltpu.async_copy(g_hbm.at[src_v.at[j]], rows_v.at[j], sem)

    @pl.loop(0, NCH)
    def _edges(j):
        b = lax.rem(j, NBUF)
        pltpu.make_async_copy(g_hbm.at[src_v.at[j]], rows_v.at[b], sem).wait()

        @pl.when(j + NBUF - 1 < NCH)
        def _next():
            pltpu.async_copy(g_hbm.at[src_v.at[j + NBUF - 1]],
                             rows_v.at[lax.rem(j + NBUF - 1, NBUF)], sem)

        pltpu.sync_copy(rows_v.at[b], acc_sh.at[dst_v.at[j]], add=True)

    plsc.subcore_barrier()
    pltpu.sync_copy(acc_sh.at[pl.ds(sid * RPT, RPT)],
                    acc_hbm.at[cid, pl.ds(sid * RPT, RPT)])


_BM = 10000
_GRID = NN // _BM


def _mm1_body(x_ref, w_ref, degp_ref, g_ref, dis_ref):
    deg = degp_ref[0] + degp_ref[1] + 1.0
    dis = lax.rsqrt(deg)
    h = jnp.dot(x_ref[...], w_ref[...], preferred_element_type=jnp.float32)
    g_ref[...] = h * dis
    dis_ref[...] = dis


def _mm1(x, W1, degp):
    return pl.pallas_call(
        _mm1_body,
        grid=(_GRID,),
        in_specs=[
            pl.BlockSpec((_BM, 256), lambda i: (i, 0)),
            pl.BlockSpec((256, D_HID), lambda i: (0, 0)),
            pl.BlockSpec((NC, _BM, 1), lambda i: (0, i, 0)),
        ],
        out_specs=[
            pl.BlockSpec((_BM, D_HID), lambda i: (i, 0)),
            pl.BlockSpec((_BM, 1), lambda i: (i, 0)),
        ],
        out_shape=[
            jax.ShapeDtypeStruct((NP, D_HID), jnp.float32),
            jax.ShapeDtypeStruct((NP, 1), jnp.float32),
        ],
    )(x, W1, degp.reshape(NC, NP, 1))


def _mid_body(acc_ref, g_ref, dis_ref, b1_ref, g2_ref):
    agg = dis_ref[...] * (acc_ref[0] + acc_ref[1] + g_ref[...])
    h1 = jnp.maximum(agg + b1_ref[...], 0.0)
    g2_ref[...] = h1 * dis_ref[...]


def _mid(acc1, g1, dis, b1):
    return pl.pallas_call(
        _mid_body,
        grid=(_GRID,),
        in_specs=[
            pl.BlockSpec((NC, _BM, D_HID), lambda i: (0, i, 0)),
            pl.BlockSpec((_BM, D_HID), lambda i: (i, 0)),
            pl.BlockSpec((_BM, 1), lambda i: (i, 0)),
            pl.BlockSpec((1, D_HID), lambda i: (0, 0)),
        ],
        out_specs=pl.BlockSpec((_BM, D_HID), lambda i: (i, 0)),
        out_shape=jax.ShapeDtypeStruct((NP, D_HID), jnp.float32),
    )(acc1, g1, dis, b1)


def _fin_body(acc_ref, g_ref, dis_ref, w_ref, b2_ref, out_ref):
    agg = dis_ref[...] * (acc_ref[0] + acc_ref[1] + g_ref[...])
    out_ref[...] = jnp.dot(agg, w_ref[...],
                           preferred_element_type=jnp.float32) + b2_ref[...]


def _fin(acc2, g2, dis, W2, b2):
    return pl.pallas_call(
        _fin_body,
        grid=(_GRID,),
        in_specs=[
            pl.BlockSpec((NC, _BM, D_HID), lambda i: (0, i, 0)),
            pl.BlockSpec((_BM, D_HID), lambda i: (i, 0)),
            pl.BlockSpec((_BM, 1), lambda i: (i, 0)),
            pl.BlockSpec((D_HID, 256), lambda i: (0, 0)),
            pl.BlockSpec((1, 256), lambda i: (0, 0)),
        ],
        out_specs=pl.BlockSpec((_BM, 256), lambda i: (i, 0)),
        out_shape=jax.ShapeDtypeStruct((NN, 256), jnp.float32),
    )(acc2, g2, dis, W2, b2)


def kernel(x, edge_index, W1, b1, W2, b2):
    src = edge_index[0]
    dst = edge_index[1]
    pad_idx = NN + (jnp.arange(EP - EE, dtype=jnp.int32) % (NP - NN))
    srcm = jnp.concatenate([src, pad_idx]).reshape(NW, NCH, CH)
    dstm = jnp.concatenate([dst, pad_idx]).reshape(NW, NCH, CH)

    degp = _deg_kernel(dstm.reshape(NW, DNCH, DCH))
    g1, dis = _mm1(x, W1, degp)
    acc1 = _agg_kernel(g1, srcm, dstm)
    g2 = _mid(acc1, g1, dis, b1.reshape(1, D_HID))
    acc2 = _agg_kernel(g2, srcm, dstm)
    return _fin(acc2, g2, dis, W2, b2.reshape(1, 256))

# --- scband reference (transcript-rebuilt; emitter-appended) ---
"""Pipeline reference for scband-gcn-56564719288950 (READ-ONLY COPY).

The authoritative reference and input builder live on the scoring server;
editing this copy changes nothing except your own understanding.
"""

import jax, jax.numpy as jnp
import numpy as np

N = 10000
E = 160000
D_IN = 256
D_HID = 128
D_OUT = 256


def setup_inputs(seed: int = 0) -> dict:
    key = jax.random.key(seed)
    k1, k2, k3, k4 = jax.random.split(key, 4)
    x = jax.random.normal(k1, (N, D_IN), dtype=jnp.float32)
    edge_index = jax.random.randint(k2, (2, E), 0, N, dtype=jnp.int32)
    W1 = jax.random.normal(k3, (D_IN, D_HID), dtype=jnp.float32) * (1.0 / np.sqrt(D_IN))
    b1 = jnp.zeros((D_HID,), dtype=jnp.float32)
    W2 = jax.random.normal(k4, (D_HID, D_OUT), dtype=jnp.float32) * (1.0 / np.sqrt(D_HID))
    b2 = jnp.zeros((D_OUT,), dtype=jnp.float32)
    return {"x": x, "edge_index": edge_index, "W1": W1, "b1": b1, "W2": W2, "b2": b2}


def _gcn_conv(x, edge_index, W, b):
    # PyG-style GCNConv: x' = D^{-1/2} (A + I) D^{-1/2} X W + b
    src = edge_index[0]
    dst = edge_index[1]
    loop = jnp.arange(N, dtype=edge_index.dtype)
    src = jnp.concatenate([src, loop])
    dst = jnp.concatenate([dst, loop])
    deg = jnp.zeros((N,), dtype=x.dtype).at[dst].add(1.0)
    deg_inv_sqrt = jnp.where(deg > 0, jax.lax.rsqrt(jnp.maximum(deg, 1e-12)), 0.0)
    norm = deg_inv_sqrt[src] * deg_inv_sqrt[dst]
    h = x @ W
    msg = h[src] * norm[:, None]
    out = jax.ops.segment_sum(msg, dst, num_segments=N)
    return out + b


def reference(x, edge_index, W1, b1, W2, b2):
    h = jax.nn.relu(_gcn_conv(x, edge_index, W1, b1))
    out = _gcn_conv(h, edge_index, W2, b2)
    return out

if __name__ == "__main__":
    import jax
    _d = setup_inputs()
    print(jax.jit(kernel)(*tuple(_d.values())))

</pallas_src>

<mosaic_0001>
#map = affine_map<(d0, d1) -> (0, 0, 0)>
#map1 = affine_map<(d0, d1) -> (0, 0)>
module attributes {stable_mosaic.version = 14 : i64} {
  func.func @_deg_kernel(%arg0: i32, %arg1: i32, %arg2: memref<32x40x128xi32, #tpu.memory_space<hbm>>, %arg3: memref<2x10240xf32, #tpu.memory_space<hbm>>, %arg4: memref<40x128xi32, #tpu.memory_space<vmem>>, %arg5: memref<128xf32, #tpu.memory_space<vmem>>, %arg6: memref<640xf32, #tpu.memory_space<vmem>>, %arg7: memref<10240xf32, #tpu.memory_space<vmem_shared>>) attributes {dimension_semantics = [#tpu.dimension_semantics<core_parallel>, #tpu.dimension_semantics<subcore_parallel>], iteration_bounds = array<i64: 2, 16>, scalar_prefetch = 0 : i64, scratch_operands = 4 : i64, tpu.core_type = #tpu.core_type<sc_vector_subcore>, window_params = [{transform_indices = #map}, {transform_indices = #map1}]} {
    %mul3A = arith.constant 2 : i32
    %mul3A_0 = arith.muli %arg1, %mul3A : i32
    %add3A = arith.addi %mul3A_0, %arg0 : i32
    %scan3A = arith.constant 0 : i32
    %scan3A_1 = arith.constant 8 : i32
    %scan3A_2 = arith.addi %scan3A, %scan3A_1 : i32
    %scan3A_3 = arith.constant 1 : i32
    scf.for %scan3A_22 = %scan3A to %scan3A_2 step %scan3A_3  : i32 {
      %mul3A_23 = arith.constant 1 : i32
      %mul3A_24 = arith.muli %scan3A_22, %mul3A_23 : i32
      %add3A_25 = arith.constant 0 : i32
      %add3A_26 = arith.addi %add3A_25, %mul3A_24 : i32
      %broadcast_in_dim3A = arith.constant 1.000000e+00 : f32
      %broadcast_in_dim3A_27 = vector.broadcast %broadcast_in_dim3A : f32 to vector<16xf32>
      %mul3A_28 = arith.constant 16 : i32
      %mul3A_29 = arith.muli %add3A_26, %mul3A_28 : i32
      %swap3A = arith.index_cast %mul3A_29 : i32 to index
      %swap3A_30 = tpu.vector_load %arg5[%swap3A] {strides = array<i32>} : memref<128xf32, #tpu.memory_space<vmem>>, vector<16xf32>,
      %swap3A_31 = vector.shape_cast %swap3A_30 : vector<16xf32> to vector<16xf32>
      %swap3A_32 = vector.shape_cast %broadcast_in_dim3A_27 : vector<16xf32> to vector<16xf32>
      tpu.vector_store %arg5[%swap3A], %swap3A_32 {strides = array<i32>} : memref<128xf32, #tpu.memory_space<vmem>>, vector<16xf32>,
    }
    %scan3A_4 = arith.constant 8 : i32
    %scan3A_5 = arith.constant 0 : i32
    %scan3A_6 = arith.constant 40 : i32
    %scan3A_7 = arith.addi %scan3A_5, %scan3A_6 : i32
    %scan3A_8 = arith.constant 1 : i32
    scf.for %scan3A_22 = %scan3A_5 to %scan3A_7 step %scan3A_8  : i32 {
      %mul3A_23 = arith.constant 1 : i32
      %mul3A_24 = arith.muli %scan3A_22, %mul3A_23 : i32
      %add3A_25 = arith.constant 0 : i32
      %add3A_26 = arith.addi %add3A_25, %mul3A_24 : i32
      %broadcast_in_dim3A = arith.constant 0.000000e+00 : f32
      %broadcast_in_dim3A_27 = vector.broadcast %broadcast_in_dim3A : f32 to vector<16xf32>
      %mul3A_28 = arith.constant 16 : i32
      %mul3A_29 = arith.muli %add3A_26, %mul3A_28 : i32
      %swap3A = arith.index_cast %mul3A_29 : i32 to index
      %swap3A_30 = tpu.vector_load %arg6[%swap3A] {strides = array<i32>} : memref<640xf32, #tpu.memory_space<vmem>>, vector<16xf32>,
      %swap3A_31 = vector.shape_cast %swap3A_30 : vector<16xf32> to vector<16xf32>
      %swap3A_32 = vector.shape_cast %broadcast_in_dim3A_27 : vector<16xf32> to vector<16xf32>
      tpu.vector_store %arg6[%swap3A], %swap3A_32 {strides = array<i32>} : memref<640xf32, #tpu.memory_space<vmem>>, vector<16xf32>,
    }
    %scan3A_9 = arith.constant 40 : i32
    "tpu.region"() ({
      %run_scoped3A = tpu.sem_alloc : memref<!tpu.dma_semaphore, #tpu.memory_space<semaphore_mem>>
      %dma_start3A = arith.constant 0 : i32
      %dma_start3A_22 = arith.constant 0 : i32
      %dma_start3A_23 = tpu.memref_slice %arg2[%add3A, %dma_start3A, %dma_start3A_22] : memref<32x40x128xi32, #tpu.memory_space<hbm>> -> memref<1x40x128xi32, #tpu.memory_space<hbm>>
      %dma_start3A_24 = tpu.memref_squeeze %dma_start3A_23 : memref<1x40x128xi32, #tpu.memory_space<hbm>> -> memref<40x128xi32, #tpu.memory_space<hbm>>
      %dma_start3A_25 = arith.constant 0 : i32
      %dma_start3A_26 = arith.constant 0 : i32
      %dma_start3A_27 = tpu.memref_slice %arg2[%add3A, %dma_start3A_25, %dma_start3A_26] : memref<32x40x128xi32, #tpu.memory_space<hbm>> -> memref<1x40x128xi32, #tpu.memory_space<hbm>>
      %dma_start3A_28 = tpu.memref_squeeze %dma_start3A_27 : memref<1x40x128xi32, #tpu.memory_space<hbm>> -> memref<40x128xi32, #tpu.memory_space<hbm>>
      tpu.enqueue_dma source(%dma_start3A_28 : memref<40x128xi32, #tpu.memory_space<hbm>>) target(%arg4 : memref<40x128xi32, #tpu.memory_space<vmem>>) target_semaphore(%run_scoped3A : memref<!tpu.dma_semaphore, #tpu.memory_space<semaphore_mem>>)
      %dma_wait3A = arith.constant 0 : i32
      %dma_wait3A_29 = arith.constant 0 : i32
      %dma_wait3A_30 = tpu.memref_slice %arg2[%add3A, %dma_wait3A, %dma_wait3A_29] : memref<32x40x128xi32, #tpu.memory_space<hbm>> -> memref<1x40x128xi32, #tpu.memory_space<hbm>>
      %dma_wait3A_31 = tpu.memref_squeeze %dma_wait3A_30 : memref<1x40x128xi32, #tpu.memory_space<hbm>> -> memref<40x128xi32, #tpu.memory_space<hbm>>
      %dma_wait3A_32 = arith.constant 0 : i32
      %dma_wait3A_33 = arith.constant 0 : i32
      %dma_wait3A_34 = tpu.memref_slice %arg2[%add3A, %dma_wait3A_32, %dma_wait3A_33] : memref<32x40x128xi32, #tpu.memory_space<hbm>> -> memref<1x40x128xi32, #tpu.memory_space<hbm>>
      %dma_wait3A_35 = tpu.memref_squeeze %dma_wait3A_34 : memref<1x40x128xi32, #tpu.memory_space<hbm>> -> memref<40x128xi32, #tpu.memory_space<hbm>>
      tpu.wait_dma2 semaphore(%run_scoped3A : memref<!tpu.dma_semaphore, #tpu.memory_space<semaphore_mem>>) src(%dma_wait3A_35 : memref<40x128xi32, #tpu.memory_space<hbm>>) dst(%arg4 : memref<40x128xi32, #tpu.memory_space<vmem>>)
      tpu.yield
    }) : () -> ()
    %mul3A_10 = arith.constant 640 : i32
    %mul3A_11 = arith.muli %arg1, %mul3A_10 : i32
    "tpu.region"() ({
      %run_scoped3A = tpu.sem_alloc : memref<!tpu.dma_semaphore, #tpu.memory_space<semaphore_mem>>
      %dma_start3A = tpu.memref_slice %arg7[%mul3A_11] : memref<10240xf32, #tpu.memory_space<vmem_shared>> -> memref<640xf32, #tpu.memory_space<vmem_shared>>
      %dma_start3A_22 = tpu.memref_slice %arg7[%mul3A_11] : memref<10240xf32, #tpu.memory_space<vmem_shared>> -> memref<640xf32, #tpu.memory_space<vmem_shared>>
      tpu.enqueue_dma source(%arg6 : memref<640xf32, #tpu.memory_space<vmem>>) target(%dma_start3A_22 : memref<640xf32, #tpu.memory_space<vmem_shared>>) target_semaphore(%run_scoped3A : memref<!tpu.dma_semaphore, #tpu.memory_space<semaphore_mem>>)
      %dma_wait3A = tpu.memref_slice %arg7[%mul3A_11] : memref<10240xf32, #tpu.memory_space<vmem_shared>> -> memref<640xf32, #tpu.memory_space<vmem_shared>>
      %dma_wait3A_23 = tpu.memref_slice %arg7[%mul3A_11] : memref<10240xf32, #tpu.memory_space<vmem_shared>> -> memref<640xf32, #tpu.memory_space<vmem_shared>>
      tpu.wait_dma2 semaphore(%run_scoped3A : memref<!tpu.dma_semaphore, #tpu.memory_space<semaphore_mem>>) src(%arg6 : memref<640xf32, #tpu.memory_space<vmem>>) dst(%dma_wait3A_23 : memref<640xf32, #tpu.memory_space<vmem_shared>>)
      tpu.yield
    }) : () -> ()
    %barrier3A = arith.constant 0 : index
    tpu.barrier barrier_id(%barrier3A)
    %scan3A_12 = arith.constant 0 : i32
    %scan3A_13 = arith.constant 40 : i32
    %scan3A_14 = arith.addi %scan3A_12, %scan3A_13 : i32
    %scan3A_15 = arith.constant 1 : i32
    scf.for %scan3A_22 = %scan3A_12 to %scan3A_14 step %scan3A_15  : i32 {
      %mul3A_23 = arith.constant 1 : i32
      %mul3A_24 = arith.muli %scan3A_22, %mul3A_23 : i32
      %add3A_25 = arith.constant 0 : i32
      %add3A_26 = arith.addi %add3A_25, %mul3A_24 : i32
      "tpu.region"() ({
        %run_scoped3A = tpu.sem_alloc : memref<!tpu.dma_semaphore, #tpu.memory_space<semaphore_mem>>
        %dma_start3A = arith.constant 0 : i32
        %dma_start3A_27 = tpu.memref_slice %arg4[%add3A_26, %dma_start3A] : memref<40x128xi32, #tpu.memory_space<vmem>> -> memref<1x128xi32, #tpu.memory_space<vmem>>
        %dma_start3A_28 = tpu.memref_squeeze %dma_start3A_27 : memref<1x128xi32, #tpu.memory_space<vmem>> -> memref<128xi32, #tpu.memory_space<vmem>>
        %dma_start3A_29 = arith.constant 0 : i32
        %dma_start3A_30 = tpu.memref_slice %arg7[%dma_start3A_29] : memref<10240xf32, #tpu.memory_space<vmem_shared>> -> memref<10240xf32, #tpu.memory_space<vmem_shared>>
        tpu.enqueue_indirect_dma source(%arg5 : memref<128xf32, #tpu.memory_space<vmem>>) target(%dma_start3A_30 : memref<10240xf32, #tpu.memory_space<vmem_shared>>) offsets(%dma_start3A_28 : memref<128xi32, #tpu.memory_space<vmem>>) semaphore(%run_scoped3A : memref<!tpu.dma_semaphore, #tpu.memory_space<semaphore_mem>>) {add = true}
        %dma_wait3A = arith.constant 0 : i32
        %dma_wait3A_31 = tpu.memref_slice %arg4[%add3A_26, %dma_wait3A] : memref<40x128xi32, #tpu.memory_space<vmem>> -> memref<1x128xi32, #tpu.memory_space<vmem>>
        %dma_wait3A_32 = tpu.memref_squeeze %dma_wait3A_31 : memref<1x128xi32, #tpu.memory_space<vmem>> -> memref<128xi32, #tpu.memory_space<vmem>>
        %dma_wait3A_33 = arith.constant 0 : i32
        %dma_wait3A_34 = tpu.memref_slice %arg7[%dma_wait3A_33] : memref<10240xf32, #tpu.memory_space<vmem_shared>> -> memref<10240xf32, #tpu.memory_space<vmem_shared>>
        tpu.wait_indirect_dma semaphore(%run_scoped3A : memref<!tpu.dma_semaphore, #tpu.memory_space<semaphore_mem>>) src(%arg5 : memref<128xf32, #tpu.memory_space<vmem>>) dst(%dma_wait3A_34 : memref<10240xf32, #tpu.memory_space<vmem_shared>>)
        tpu.yield
      }) : () -> ()
    }
    %scan3A_16 = arith.constant 40 : i32
    %barrier3A_17 = arith.constant 0 : index
    tpu.barrier barrier_id(%barrier3A_17)
    %mul3A_18 = arith.constant 640 : i32
    %mul3A_19 = arith.muli %arg1, %mul3A_18 : i32
    %mul3A_20 = arith.constant 640 : i32
    %mul3A_21 = arith.muli %arg1, %mul3A_20 : i32
    "tpu.region"() ({
      %run_scoped3A = tpu.sem_alloc : memref<!tpu.dma_semaphore, #tpu.memory_space<semaphore_mem>>
      %dma_start3A = tpu.memref_slice %arg3[%arg0, %mul3A_21] : memref<2x10240xf32, #tpu.memory_space<hbm>> -> memref<1x640xf32, #tpu.memory_space<hbm>>
      %dma_start3A_22 = tpu.memref_squeeze %dma_start3A : memref<1x640xf32, #tpu.memory_space<hbm>> -> memref<640xf32, #tpu.memory_space<hbm>>
      %dma_start3A_23 = tpu.memref_slice %arg7[%mul3A_19] : memref<10240xf32, #tpu.memory_space<vmem_shared>> -> memref<640xf32, #tpu.memory_space<vmem_shared>>
      tpu.enqueue_dma source(%dma_start3A_23 : memref<640xf32, #tpu.memory_space<vmem_shared>>) target(%dma_start3A_22 : memref<640xf32, #tpu.memory_space<hbm>>) target_semaphore(%run_scoped3A : memref<!tpu.dma_semaphore, #tpu.memory_space<semaphore_mem>>)
      %dma_wait3A = tpu.memref_slice %arg3[%arg0, %mul3A_21] : memref<2x10240xf32, #tpu.memory_space<hbm>> -> memref<1x640xf32, #tpu.memory_space<hbm>>
      %dma_wait3A_24 = tpu.memref_squeeze %dma_wait3A : memref<1x640xf32, #tpu.memory_space<hbm>> -> memref<640xf32, #tpu.memory_space<hbm>>
      %dma_wait3A_25 = tpu.memref_slice %arg7[%mul3A_19] : memref<10240xf32, #tpu.memory_space<vmem_shared>> -> memref<640xf32, #tpu.memory_space<vmem_shared>>
      tpu.wait_dma2 semaphore(%run_scoped3A : memref<!tpu.dma_semaphore, #tpu.memory_space<semaphore_mem>>) src(%dma_wait3A_25 : memref<640xf32, #tpu.memory_space<vmem_shared>>) dst(%dma_wait3A_24 : memref<640xf32, #tpu.memory_space<hbm>>)
      tpu.yield
    }) : () -> ()
    return
  }
}

#map = affine_map<(d0, d1) -> (0, 0)>
#map1 = affine_map<(d0, d1) -> (0, 0, 0)>
module attributes {stable_mosaic.version = 14 : i64} {
  func.func @_agg_kernel(%arg0: i32, %arg1: i32, %arg2: memref<10240x128xf32, #tpu.memory_space<hbm>>, %arg3: memref<32x80x64xi32, #tpu.memory_space<hbm>>, %arg4: memref<32x80x64xi32, #tpu.memory_space<hbm>>, %arg5: memref<2x10240x128xf32, #tpu.memory_space<hbm>>, %arg6: memref<80x64xi32, #tpu.memory_space<vmem>>, %arg7: memref<80x64xi32, #tpu.memory_space<vmem>>, %arg8: memref<3x64x128xf32, #tpu.memory_space<vmem>>, %arg9: memref<10240x128xf32, #tpu.memory_space<vmem_shared>>, %arg10: memref<!tpu.dma_semaphore, #tpu.memory_space<semaphore_mem>>) attributes {dimension_semantics = [#tpu.dimension_semantics<core_parallel>, #tpu.dimension_semantics<subcore_parallel>], iteration_bounds = array<i64: 2, 16>, scalar_prefetch = 0 : i64, scratch_operands = 5 : i64, tpu.core_type = #tpu.core_type<sc_vector_subcore>, window_params = [{transform_indices = #map}, {transform_indices = #map1}, {transform_indices = #map1}, {transform_indices = #map1}]} {
    %mul3A = arith.constant 2 : i32
    %mul3A_0 = arith.muli %arg1, %mul3A : i32
    %add3A = arith.addi %mul3A_0, %arg0 : i32
    %scan3A = arith.constant 0 : i32
    %scan3A_1 = arith.constant 64 : i32
    %scan3A_2 = arith.addi %scan3A, %scan3A_1 : i32
    %scan3A_3 = arith.constant 1 : i32
    scf.for %scan3A_43 = %scan3A to %scan3A_2 step %scan3A_3  : i32 {
      %mul3A_44 = arith.constant 1 : i32
      %mul3A_45 = arith.muli %scan3A_43, %mul3A_44 : i32
      %add3A_46 = arith.constant 0 : i32
      %add3A_47 = arith.addi %add3A_46, %mul3A_45 : i32
      %scan3A_48 = arith.constant 0 : i32
      %scan3A_49 = arith.constant 8 : i32
      %scan3A_50 = arith.addi %scan3A_48, %scan3A_49 : i32
      %scan3A_51 = arith.constant 1 : i32
      scf.for %scan3A_53 = %scan3A_48 to %scan3A_50 step %scan3A_51  : i32 {
        %mul3A_54 = arith.constant 1 : i32
        %mul3A_55 = arith.muli %scan3A_53, %mul3A_54 : i32
        %add3A_56 = arith.constant 0 : i32
        %add3A_57 = arith.addi %add3A_56, %mul3A_55 : i32
        %broadcast_in_dim3A = arith.constant 0.000000e+00 : f32
        %broadcast_in_dim3A_58 = vector.broadcast %broadcast_in_dim3A : f32 to vector<16xf32>
        %mul3A_59 = arith.constant 16 : i32
        %mul3A_60 = arith.muli %add3A_57, %mul3A_59 : i32
        %swap3A = arith.constant 0 : i32
        %swap3A_61 = arith.index_cast %swap3A : i32 to index
        %swap3A_62 = arith.index_cast %add3A_47 : i32 to index
        %swap3A_63 = arith.index_cast %mul3A_60 : i32 to index
        %swap3A_64 = tpu.vector_load %arg8[%swap3A_61, %swap3A_62, %swap3A_63] {strides = array<i32>} : memref<3x64x128xf32, #tpu.memory_space<vmem>>, vector<1x1x16xf32>,
        %swap3A_65 = vector.shape_cast %swap3A_64 : vector<1x1x16xf32> to vector<16xf32>
        %swap3A_66 = vector.shape_cast %broadcast_in_dim3A_58 : vector<16xf32> to vector<1x1x16xf32>
        tpu.vector_store %arg8[%swap3A_61, %swap3A_62, %swap3A_63], %swap3A_66 {strides = array<i32>} : memref<3x64x128xf32, #tpu.memory_space<vmem>>, vector<1x1x16xf32>,
      }
      %scan3A_52 = arith.constant 8 : i32
    }
    %scan3A_4 = arith.constant 64 : i32
    "tpu.region"() ({
      %run_scoped3A = tpu.sem_alloc : memref<!tpu.dma_semaphore, #tpu.memory_space<semaphore_mem>>
      %dma_start3A_43 = arith.constant 0 : i32
      %dma_start3A_44 = arith.constant 0 : i32
      %dma_start3A_45 = tpu.memref_slice %arg3[%add3A, %dma_start3A_43, %dma_start3A_44] : memref<32x80x64xi32, #tpu.memory_space<hbm>> -> memref<1x80x64xi32, #tpu.memory_space<hbm>>
      %dma_start3A_46 = tpu.memref_squeeze %dma_start3A_45 : memref<1x80x64xi32, #tpu.memory_space<hbm>> -> memref<80x64xi32, #tpu.memory_space<hbm>>
      %dma_start3A_47 = arith.constant 0 : i32
      %dma_start3A_48 = arith.constant 0 : i32
      %dma_start3A_49 = tpu.memref_slice %arg3[%add3A, %dma_start3A_47, %dma_start3A_48] : memref<32x80x64xi32, #tpu.memory_space<hbm>> -> memref<1x80x64xi32, #tpu.memory_space<hbm>>
      %dma_start3A_50 = tpu.memref_squeeze %dma_start3A_49 : memref<1x80x64xi32, #tpu.memory_space<hbm>> -> memref<80x64xi32, #tpu.memory_space<hbm>>
      tpu.enqueue_dma source(%dma_start3A_50 : memref<80x64xi32, #tpu.memory_space<hbm>>) target(%arg6 : memref<80x64xi32, #tpu.memory_space<vmem>>) target_semaphore(%run_scoped3A : memref<!tpu.dma_semaphore, #tpu.memory_space<semaphore_mem>>)
      %dma_wait3A = arith.constant 0 : i32
      %dma_wait3A_51 = arith.constant 0 : i32
      %dma_wait3A_52 = tpu.memref_slice %arg3[%add3A, %dma_wait3A, %dma_wait3A_51] : memref<32x80x64xi32, #tpu.memory_space<hbm>> -> memref<1x80x64xi32, #tpu.memory_space<hbm>>
      %dma_wait3A_53 = tpu.memref_squeeze %dma_wait3A_52 : memref<1x80x64xi32, #tpu.memory_space<hbm>> -> memref<80x64xi32, #tpu.memory_space<hbm>>
      %dma_wait3A_54 = arith.constant 0 : i32
      %dma_wait3A_55 = arith.constant 0 : i32
      %dma_wait3A_56 = tpu.memref_slice %arg3[%add3A, %dma_wait3A_54, %dma_wait3A_55] : memref<32x80x64xi32, #tpu.memory_space<hbm>> -> memref<1x80x64xi32, #tpu.memory_space<hbm>>
      %dma_wait3A_57 = tpu.memref_squeeze %dma_wait3A_56 : memref<1x80x64xi32, #tpu.memory_space<hbm>> -> memref<80x64xi32, #tpu.memory_space<hbm>>
      tpu.wait_dma2 semaphore(%run_scoped3A : memref<!tpu.dma_semaphore, #tpu.memory_space<semaphore_mem>>) src(%dma_wait3A_57 : memref<80x64xi32, #tpu.memory_space<hbm>>) dst(%arg6 : memref<80x64xi32, #tpu.memory_space<vmem>>)
      tpu.yield
    }) : () -> ()
    "tpu.region"() ({
      %run_scoped3A = tpu.sem_alloc : memref<!tpu.dma_semaphore, #tpu.memory_space<semaphore_mem>>
      %dma_start3A_43 = arith.constant 0 : i32
      %dma_start3A_44 = arith.constant 0 : i32
      %dma_start3A_45 = tpu.memref_slice %arg4[%add3A, %dma_start3A_43, %dma_start3A_44] : memref<32x80x64xi32, #tpu.memory_space<hbm>> -> memref<1x80x64xi32, #tpu.memory_space<hbm>>
      %dma_start3A_46 = tpu.memref_squeeze %dma_start3A_45 : memref<1x80x64xi32, #tpu.memory_space<hbm>> -> memref<80x64xi32, #tpu.memory_space<hbm>>
      %dma_start3A_47 = arith.constant 0 : i32
      %dma_start3A_48 = arith.constant 0 : i32
      %dma_start3A_49 = tpu.memref_slice %arg4[%add3A, %dma_start3A_47, %dma_start3A_48] : memref<32x80x64xi32, #tpu.memory_space<hbm>> -> memref<1x80x64xi32, #tpu.memory_space<hbm>>
      %dma_start3A_50 = tpu.memref_squeeze %dma_start3A_49 : memref<1x80x64xi32, #tpu.memory_space<hbm>> -> memref<80x64xi32, #tpu.memory_space<hbm>>
      tpu.enqueue_dma source(%dma_start3A_50 : memref<80x64xi32, #tpu.memory_space<hbm>>) target(%arg7 : memref<80x64xi32, #tpu.memory_space<vmem>>) target_semaphore(%run_scoped3A : memref<!tpu.dma_semaphore, #tpu.memory_space<semaphore_mem>>)
      %dma_wait3A = arith.constant 0 : i32
      %dma_wait3A_51 = arith.constant 0 : i32
      %dma_wait3A_52 = tpu.memref_slice %arg4[%add3A, %dma_wait3A, %dma_wait3A_51] : memref<32x80x64xi32, #tpu.memory_space<hbm>> -> memref<1x80x64xi32, #tpu.memory_space<hbm>>
      %dma_wait3A_53 = tpu.memref_squeeze %dma_wait3A_52 : memref<1x80x64xi32, #tpu.memory_space<hbm>> -> memref<80x64xi32, #tpu.memory_space<hbm>>
      %dma_wait3A_54 = arith.constant 0 : i32
      %dma_wait3A_55 = arith.constant 0 : i32
      %dma_wait3A_56 = tpu.memref_slice %arg4[%add3A, %dma_wait3A_54, %dma_wait3A_55] : memref<32x80x64xi32, #tpu.memory_space<hbm>> -> memref<1x80x64xi32, #tpu.memory_space<hbm>>
      %dma_wait3A_57 = tpu.memref_squeeze %dma_wait3A_56 : memref<1x80x64xi32, #tpu.memory_space<hbm>> -> memref<80x64xi32, #tpu.memory_space<hbm>>
      tpu.wait_dma2 semaphore(%run_scoped3A : memref<!tpu.dma_semaphore, #tpu.memory_space<semaphore_mem>>) src(%dma_wait3A_57 : memref<80x64xi32, #tpu.memory_space<hbm>>) dst(%arg7 : memref<80x64xi32, #tpu.memory_space<vmem>>)
      tpu.yield
    }) : () -> ()
    %scan3A_5 = arith.constant 0 : i32
    %scan3A_6 = arith.constant 10 : i32
    %scan3A_7 = arith.addi %scan3A_5, %scan3A_6 : i32
    %scan3A_8 = arith.constant 1 : i32
    scf.for %scan3A_43 = %scan3A_5 to %scan3A_7 step %scan3A_8  : i32 {
      %mul3A_44 = arith.constant 1 : i32
      %mul3A_45 = arith.muli %scan3A_43, %mul3A_44 : i32
      %add3A_46 = arith.constant 0 : i32
      %add3A_47 = arith.addi %add3A_46, %mul3A_45 : i32
      %mul3A_48 = arith.constant 640 : i32
      %mul3A_49 = arith.muli %arg1, %mul3A_48 : i32
      %mul3A_50 = arith.constant 64 : i32
      %mul3A_51 = arith.muli %add3A_47, %mul3A_50 : i32
      %add3A_52 = arith.addi %mul3A_49, %mul3A_51 : i32
      %run_scoped3A = arith.constant 0 : i32
      "tpu.region"() ({
        %run_scoped3A_53 = tpu.sem_alloc : memref<!tpu.dma_semaphore, #tpu.memory_space<semaphore_mem>>
        %dma_start3A_54 = arith.constant 0 : i32
        %dma_start3A_55 = arith.constant 0 : i32
        %dma_start3A_56 = tpu.memref_slice %arg8[%run_scoped3A, %dma_start3A_54, %dma_start3A_55] : memref<3x64x128xf32, #tpu.memory_space<vmem>> -> memref<1x64x128xf32, #tpu.memory_space<vmem>>
        %dma_start3A_57 = tpu.memref_squeeze %dma_start3A_56 : memref<1x64x128xf32, #tpu.memory_space<vmem>> -> memref<64x128xf32, #tpu.memory_space<vmem>>
        %dma_start3A_58 = arith.constant 0 : i32
        %dma_start3A_59 = tpu.memref_slice %arg9[%add3A_52, %dma_start3A_58] : memref<10240x128xf32, #tpu.memory_space<vmem_shared>> -> memref<64x128xf32, #tpu.memory_space<vmem_shared>>
        %dma_start3A_60 = arith.constant 0 : i32
        %dma_start3A_61 = tpu.memref_slice %arg9[%add3A_52, %dma_start3A_60] : memref<10240x128xf32, #tpu.memory_space<vmem_shared>> -> memref<64x128xf32, #tpu.memory_space<vmem_shared>>
        %dma_start3A_62 = arith.constant 0 : i32
        %dma_start3A_63 = arith.constant 0 : i32
        %dma_start3A_64 = tpu.memref_slice %arg8[%run_scoped3A, %dma_start3A_62, %dma_start3A_63] : memref<3x64x128xf32, #tpu.memory_space<vmem>> -> memref<1x64x128xf32, #tpu.memory_space<vmem>>
        %dma_start3A_65 = tpu.memref_squeeze %dma_start3A_64 : memref<1x64x128xf32, #tpu.memory_space<vmem>> -> memref<64x128xf32, #tpu.memory_space<vmem>>
        tpu.enqueue_dma source(%dma_start3A_65 : memref<64x128xf32, #tpu.memory_space<vmem>>) target(%dma_start3A_61 : memref<64x128xf32, #tpu.memory_space<vmem_shared>>) target_semaphore(%run_scoped3A_53 : memref<!tpu.dma_semaphore, #tpu.memory_space<semaphore_mem>>)
        %dma_wait3A = arith.constant 0 : i32
        %dma_wait3A_66 = arith.constant 0 : i32
        %dma_wait3A_67 = tpu.memref_slice %arg8[%run_scoped3A, %dma_wait3A, %dma_wait3A_66] : memref<3x64x128xf32, #tpu.memory_space<vmem>> -> memref<1x64x128xf32, #tpu.memory_space<vmem>>
        %dma_wait3A_68 = tpu.memref_squeeze %dma_wait3A_67 : memref<1x64x128xf32, #tpu.memory_space<vmem>> -> memref<64x128xf32, #tpu.memory_space<vmem>>
        %dma_wait3A_69 = arith.constant 0 : i32
        %dma_wait3A_70 = tpu.memref_slice %arg9[%add3A_52, %dma_wait3A_69] : memref<10240x128xf32, #tpu.memory_space<vmem_shared>> -> memref<64x128xf32, #tpu.memory_space<vmem_shared>>
        %dma_wait3A_71 = arith.constant 0 : i32
        %dma_wait3A_72 = tpu.memref_slice %arg9[%add3A_52, %dma_wait3A_71] : memref<10240x128xf32, #tpu.memory_space<vmem_shared>> -> memref<64x128xf32, #tpu.memory_space<vmem_shared>>
        %dma_wait3A_73 = arith.constant 0 : i32
        %dma_wait3A_74 = arith.constant 0 : i32
        %dma_wait3A_75 = tpu.memref_slice %arg8[%run_scoped3A, %dma_wait3A_73, %dma_wait3A_74] : memref<3x64x128xf32, #tpu.memory_space<vmem>> -> memref<1x64x128xf32, #tpu.memory_space<vmem>>
        %dma_wait3A_76 = tpu.memref_squeeze %dma_wait3A_75 : memref<1x64x128xf32, #tpu.memory_space<vmem>> -> memref<64x128xf32, #tpu.memory_space<vmem>>
        tpu.wait_dma2 semaphore(%run_scoped3A_53 : memref<!tpu.dma_semaphore, #tpu.memory_space<semaphore_mem>>) src(%dma_wait3A_76 : memref<64x128xf32, #tpu.memory_space<vmem>>) dst(%dma_wait3A_72 : memref<64x128xf32, #tpu.memory_space<vmem_shared>>)
        tpu.yield
      }) : () -> ()
    }
    %scan3A_9 = arith.constant 10 : i32
    %barrier3A = arith.constant 0 : index
    tpu.barrier barrier_id(%barrier3A)
    %dma_start3A = arith.constant 0 : i32
    %dma_start3A_10 = arith.constant 0 : i32
    %dma_start3A_11 = arith.constant 0 : i32
    %dma_start3A_12 = arith.constant 0 : i32
    %dma_start3A_13 = tpu.memref_slice %arg8[%dma_start3A_10, %dma_start3A_11, %dma_start3A_12] : memref<3x64x128xf32, #tpu.memory_space<vmem>> -> memref<1x64x128xf32, #tpu.memory_space<vmem>>
    %dma_start3A_14 = tpu.memref_squeeze %dma_start3A_13 : memref<1x64x128xf32, #tpu.memory_space<vmem>> -> memref<64x128xf32, #tpu.memory_space<vmem>>
    %dma_start3A_15 = arith.constant 0 : i32
    %dma_start3A_16 = tpu.memref_slice %arg6[%dma_start3A, %dma_start3A_15] : memref<80x64xi32, #tpu.memory_space<vmem>> -> memref<1x64xi32, #tpu.memory_space<vmem>>
    %dma_start3A_17 = tpu.memref_squeeze %dma_start3A_16 : memref<1x64xi32, #tpu.memory_space<vmem>> -> memref<64xi32, #tpu.memory_space<vmem>>
    %dma_start3A_18 = arith.constant 0 : i32
    %dma_start3A_19 = arith.constant 0 : i32
    %dma_start3A_20 = tpu.memref_slice %arg2[%dma_start3A_18, %dma_start3A_19] : memref<10240x128xf32, #tpu.memory_space<hbm>> -> memref<10240x128xf32, #tpu.memory_space<hbm>>
    tpu.enqueue_indirect_dma source(%dma_start3A_20 : memref<10240x128xf32, #tpu.memory_space<hbm>>) target(%dma_start3A_14 : memref<64x128xf32, #tpu.memory_space<vmem>>) offsets(%dma_start3A_17 : memref<64xi32, #tpu.memory_space<vmem>>) semaphore(%arg10 : memref<!tpu.dma_semaphore, #tpu.memory_space<semaphore_mem>>)
    %dma_start3A_21 = arith.constant 1 : i32
    %dma_start3A_22 = arith.constant 1 : i32
    %dma_start3A_23 = arith.constant 0 : i32
    %dma_start3A_24 = arith.constant 0 : i32
    %dma_start3A_25 = tpu.memref_slice %arg8[%dma_start3A_22, %dma_start3A_23, %dma_start3A_24] : memref<3x64x128xf32, #tpu.memory_space<vmem>> -> memref<1x64x128xf32, #tpu.memory_space<vmem>>
    %dma_start3A_26 = tpu.memref_squeeze %dma_start3A_25 : memref<1x64x128xf32, #tpu.memory_space<vmem>> -> memref<64x128xf32, #tpu.memory_space<vmem>>
    %dma_start3A_27 = arith.constant 0 : i32
    %dma_start3A_28 = tpu.memref_slice %arg6[%dma_start3A_21, %dma_start3A_27] : memref<80x64xi32, #tpu.memory_space<vmem>> -> memref<1x64xi32, #tpu.memory_space<vmem>>
    %dma_start3A_29 = tpu.memref_squeeze %dma_start3A_28 : memref<1x64xi32, #tpu.memory_space<vmem>> -> memref<64xi32, #tpu.memory_space<vmem>>
    %dma_start3A_30 = arith.constant 0 : i32
    %dma_start3A_31 = arith.constant 0 : i32
    %dma_start3A_32 = tpu.memref_slice %arg2[%dma_start3A_30, %dma_start3A_31] : memref<10240x128xf32, #tpu.memory_space<hbm>> -> memref<10240x128xf32, #tpu.memory_space<hbm>>
    tpu.enqueue_indirect_dma source(%dma_start3A_32 : memref<10240x128xf32, #tpu.memory_space<hbm>>) target(%dma_start3A_26 : memref<64x128xf32, #tpu.memory_space<vmem>>) offsets(%dma_start3A_29 : memref<64xi32, #tpu.memory_space<vmem>>) semaphore(%arg10 : memref<!tpu.dma_semaphore, #tpu.memory_space<semaphore_mem>>)
    %scan3A_33 = arith.constant 0 : i32
    %scan3A_34 = arith.constant 80 : i32
    %scan3A_35 = arith.addi %scan3A_33, %scan3A_34 : i32
    %scan3A_36 = arith.constant 1 : i32
    scf.for %scan3A_43 = %scan3A_33 to %scan3A_35 step %scan3A_36  : i32 {
      %mul3A_44 = arith.constant 1 : i32
      %mul3A_45 = arith.muli %scan3A_43, %mul3A_44 : i32
      %add3A_46 = arith.constant 0 : i32
      %add3A_47 = arith.addi %add3A_46, %mul3A_45 : i32
      %rem3A = arith.constant 3 : i32
      %rem3A_48 = arith.remsi %add3A_47, %rem3A : i32
      %dma_wait3A = arith.constant 0 : i32
      %dma_wait3A_49 = arith.constant 0 : i32
      %dma_wait3A_50 = tpu.memref_slice %arg8[%rem3A_48, %dma_wait3A, %dma_wait3A_49] : memref<3x64x128xf32, #tpu.memory_space<vmem>> -> memref<1x64x128xf32, #tpu.memory_space<vmem>>
      %dma_wait3A_51 = tpu.memref_squeeze %dma_wait3A_50 : memref<1x64x128xf32, #tpu.memory_space<vmem>> -> memref<64x128xf32, #tpu.memory_space<vmem>>
      %dma_wait3A_52 = arith.constant 0 : i32
      %dma_wait3A_53 = tpu.memref_slice %arg6[%add3A_47, %dma_wait3A_52] : memref<80x64xi32, #tpu.memory_space<vmem>> -> memref<1x64xi32, #tpu.memory_space<vmem>>
      %dma_wait3A_54 = tpu.memref_squeeze %dma_wait3A_53 : memref<1x64xi32, #tpu.memory_space<vmem>> -> memref<64xi32, #tpu.memory_space<vmem>>
      %dma_wait3A_55 = arith.constant 0 : i32
      %dma_wait3A_56 = arith.constant 0 : i32
      %dma_wait3A_57 = tpu.memref_slice %arg2[%dma_wait3A_55, %dma_wait3A_56] : memref<10240x128xf32, #tpu.memory_space<hbm>> -> memref<10240x128xf32, #tpu.memory_space<hbm>>
      tpu.wait_indirect_dma semaphore(%arg10 : memref<!tpu.dma_semaphore, #tpu.memory_space<semaphore_mem>>) src(%dma_wait3A_57 : memref<10240x128xf32, #tpu.memory_space<hbm>>) dst(%dma_wait3A_51 : memref<64x128xf32, #tpu.memory_space<vmem>>)
      %add3A_58 = arith.constant 3 : i32
      %add3A_59 = arith.addi %add3A_47, %add3A_58 : i32
      %sub3A = arith.constant 1 : i32
      %sub3A_60 = arith.subi %add3A_59, %sub3A : i32
      %lt3A = arith.constant 80 : i32
      %lt3A_61 = arith.cmpi slt, %sub3A_60, %lt3A : i32
      %convert_element_type3A = arith.extui %lt3A_61 : i1 to i32
      %cond3A = arith.constant 0 : i32
      %cond3A_62 = arith.cmpi ne, %convert_element_type3A, %cond3A : i32
      scf.if %cond3A_62 {
        %add3A_63 = arith.constant 3 : i32
        %add3A_64 = arith.addi %add3A_47, %add3A_63 : i32
        %sub3A_65 = arith.constant 1 : i32
        %sub3A_66 = arith.subi %add3A_64, %sub3A_65 : i32
        %add3A_67 = arith.constant 3 : i32
        %add3A_68 = arith.addi %add3A_47, %add3A_67 : i32
        %sub3A_69 = arith.constant 1 : i32
        %sub3A_70 = arith.subi %add3A_68, %sub3A_69 : i32
        %rem3A_71 = arith.constant 3 : i32
        %rem3A_72 = arith.remsi %sub3A_70, %rem3A_71 : i32
        %dma_start3A_73 = arith.constant 0 : i32
        %dma_start3A_74 = arith.constant 0 : i32
        %dma_start3A_75 = tpu.memref_slice %arg8[%rem3A_72, %dma_start3A_73, %dma_start3A_74] : memref<3x64x128xf32, #tpu.memory_space<vmem>> -> memref<1x64x128xf32, #tpu.memory_space<vmem>>
        %dma_start3A_76 = tpu.memref_squeeze %dma_start3A_75 : memref<1x64x128xf32, #tpu.memory_space<vmem>> -> memref<64x128xf32, #tpu.memory_space<vmem>>
        %dma_start3A_77 = arith.constant 0 : i32
        %dma_start3A_78 = tpu.memref_slice %arg6[%sub3A_66, %dma_start3A_77] : memref<80x64xi32, #tpu.memory_space<vmem>> -> memref<1x64xi32, #tpu.memory_space<vmem>>
        %dma_start3A_79 = tpu.memref_squeeze %dma_start3A_78 : memref<1x64xi32, #tpu.memory_space<vmem>> -> memref<64xi32, #tpu.memory_space<vmem>>
        %dma_start3A_80 = arith.constant 0 : i32
        %dma_start3A_81 = arith.constant 0 : i32
        %dma_start3A_82 = tpu.memref_slice %arg2[%dma_start3A_80, %dma_start3A_81] : memref<10240x128xf32, #tpu.memory_space<hbm>> -> memref<10240x128xf32, #tpu.memory_space<hbm>>
        tpu.enqueue_indirect_dma source(%dma_start3A_82 : memref<10240x128xf32, #tpu.memory_space<hbm>>) target(%dma_start3A_76 : memref<64x128xf32, #tpu.memory_space<vmem>>) offsets(%dma_start3A_79 : memref<64xi32, #tpu.memory_space<vmem>>) semaphore(%arg10 : memref<!tpu.dma_semaphore, #tpu.memory_space<semaphore_mem>>)
      } else {
      }
      "tpu.region"() ({
        %run_scoped3A = tpu.sem_alloc : memref<!tpu.dma_semaphore, #tpu.memory_space<semaphore_mem>>
        %dma_start3A_63 = arith.constant 0 : i32
        %dma_start3A_64 = arith.constant 0 : i32
        %dma_start3A_65 = tpu.memref_slice %arg8[%rem3A_48, %dma_start3A_63, %dma_start3A_64] : memref<3x64x128xf32, #tpu.memory_space<vmem>> -> memref<1x64x128xf32, #tpu.memory_space<vmem>>
        %dma_start3A_66 = tpu.memref_squeeze %dma_start3A_65 : memref<1x64x128xf32, #tpu.memory_space<vmem>> -> memref<64x128xf32, #tpu.memory_space<vmem>>
        %dma_start3A_67 = arith.constant 0 : i32
        %dma_start3A_68 = tpu.memref_slice %arg7[%add3A_47, %dma_start3A_67] : memref<80x64xi32, #tpu.memory_space<vmem>> -> memref<1x64xi32, #tpu.memory_space<vmem>>
        %dma_start3A_69 = tpu.memref_squeeze %dma_start3A_68 : memref<1x64xi32, #tpu.memory_space<vmem>> -> memref<64xi32, #tpu.memory_space<vmem>>
        %dma_start3A_70 = arith.constant 0 : i32
        %dma_start3A_71 = arith.constant 0 : i32
        %dma_start3A_72 = tpu.memref_slice %arg9[%dma_start3A_70, %dma_start3A_71] : memref<10240x128xf32, #tpu.memory_space<vmem_shared>> -> memref<10240x128xf32, #tpu.memory_space<vmem_shared>>
        tpu.enqueue_indirect_dma source(%dma_start3A_66 : memref<64x128xf32, #tpu.memory_space<vmem>>) target(%dma_start3A_72 : memref<10240x128xf32, #tpu.memory_space<vmem_shared>>) offsets(%dma_start3A_69 : memref<64xi32, #tpu.memory_space<vmem>>) semaphore(%run_scoped3A : memref<!tpu.dma_semaphore, #tpu.memory_space<semaphore_mem>>) {add = true}
        %dma_wait3A_73 = arith.constant 0 : i32
        %dma_wait3A_74 = arith.constant 0 : i32
        %dma_wait3A_75 = tpu.memref_slice %arg8[%rem3A_48, %dma_wait3A_73, %dma_wait3A_74] : memref<3x64x128xf32, #tpu.memory_space<vmem>> -> memref<1x64x128xf32, #tpu.memory_space<vmem>>
        %dma_wait3A_76 = tpu.memref_squeeze %dma_wait3A_75 : memref<1x64x128xf32, #tpu.memory_space<vmem>> -> memref<64x128xf32, #tpu.memory_space<vmem>>
        %dma_wait3A_77 = arith.constant 0 : i32
        %dma_wait3A_78 = tpu.memref_slice %arg7[%add3A_47, %dma_wait3A_77] : memref<80x64xi32, #tpu.memory_space<vmem>> -> memref<1x64xi32, #tpu.memory_space<vmem>>
        %dma_wait3A_79 = tpu.memref_squeeze %dma_wait3A_78 : memref<1x64xi32, #tpu.memory_space<vmem>> -> memref<64xi32, #tpu.memory_space<vmem>>
        %dma_wait3A_80 = arith.constant 0 : i32
        %dma_wait3A_81 = arith.constant 0 : i32
        %dma_wait3A_82 = tpu.memref_slice %arg9[%dma_wait3A_80, %dma_wait3A_81] : memref<10240x128xf32, #tpu.memory_space<vmem_shared>> -> memref<10240x128xf32, #tpu.memory_space<vmem_shared>>
        tpu.wait_indirect_dma semaphore(%run_scoped3A : memref<!tpu.dma_semaphore, #tpu.memory_space<semaphore_mem>>) src(%dma_wait3A_76 : memref<64x128xf32, #tpu.memory_space<vmem>>) dst(%dma_wait3A_82 : memref<10240x128xf32, #tpu.memory_space<vmem_shared>>)
        tpu.yield
      }) : () -> ()
    }
    %scan3A_37 = arith.constant 80 : i32
    %barrier3A_38 = arith.constant 0 : index
    tpu.barrier barrier_id(%barrier3A_38)
    %mul3A_39 = arith.constant 640 : i32
    %mul3A_40 = arith.muli %arg1, %mul3A_39 : i32
    %mul3A_41 = arith.constant 640 : i32
    %mul3A_42 = arith.muli %arg1, %mul3A_41 : i32
    "tpu.region"() ({
      %run_scoped3A = tpu.sem_alloc : memref<!tpu.dma_semaphore, #tpu.memory_space<semaphore_mem>>
      %dma_start3A_43 = arith.constant 0 : i32
      %dma_start3A_44 = tpu.memref_slice %arg5[%arg0, %mul3A_42, %dma_start3A_43] : memref<2x10240x128xf32, #tpu.memory_space<hbm>> -> memref<1x640x128xf32, #tpu.memory_space<hbm>>
      %dma_start3A_45 = tpu.memref_squeeze %dma_start3A_44 : memref<1x640x128xf32, #tpu.memory_space<hbm>> -> memref<640x128xf32, #tpu.memory_space<hbm>>
      %dma_start3A_46 = arith.constant 0 : i32
      %dma_start3A_47 = tpu.memref_slice %arg9[%mul3A_40, %dma_start3A_46] : memref<10240x128xf32, #tpu.memory_space<vmem_shared>> -> memref<640x128xf32, #tpu.memory_space<vmem_shared>>
      tpu.enqueue_dma source(%dma_start3A_47 : memref<640x128xf32, #tpu.memory_space<vmem_shared>>) target(%dma_start3A_45 : memref<640x128xf32, #tpu.memory_space<hbm>>) target_semaphore(%run_scoped3A : memref<!tpu.dma_semaphore, #tpu.memory_space<semaphore_mem>>)
      %dma_wait3A = arith.constant 0 : i32
      %dma_wait3A_48 = tpu.memref_slice %arg5[%arg0, %mul3A_42, %dma_wait3A] : memref<2x10240x128xf32, #tpu.memory_space<hbm>> -> memref<1x640x128xf32, #tpu.memory_space<hbm>>
      %dma_wait3A_49 = tpu.memref_squeeze %dma_wait3A_48 : memref<1x640x128xf32, #tpu.memory_space<hbm>> -> memref<640x128xf32, #tpu.memory_space<hbm>>
      %dma_wait3A_50 = arith.constant 0 : i32
      %dma_wait3A_51 = tpu.memref_slice %arg9[%mul3A_40, %dma_wait3A_50] : memref<10240x128xf32, #tpu.memory_space<vmem_shared>> -> memref<640x128xf32, #tpu.memory_space<vmem_shared>>
      tpu.wait_dma2 semaphore(%run_scoped3A : memref<!tpu.dma_semaphore, #tpu.memory_space<semaphore_mem>>) src(%dma_wait3A_51 : memref<640x128xf32, #tpu.memory_space<vmem_shared>>) dst(%dma_wait3A_49 : memref<640x128xf32, #tpu.memory_space<hbm>>)
      tpu.yield
    }) : () -> ()
    return
  }
}

#map = affine_map<(d0, d1) -> (0, 0)>
#map1 = affine_map<(d0, d1) -> (0, 0, 0)>
module attributes {stable_mosaic.version = 14 : i64} {
  func.func @_agg_kernel(%arg0: i32, %arg1: i32, %arg2: memref<10240x128xf32, #tpu.memory_space<hbm>>, %arg3: memref<32x80x64xi32, #tpu.memory_space<hbm>>, %arg4: memref<32x80x64xi32, #tpu.memory_space<hbm>>, %arg5: memref<2x10240x128xf32, #tpu.memory_space<hbm>>, %arg6: memref<80x64xi32, #tpu.memory_space<vmem>>, %arg7: memref<80x64xi32, #tpu.memory_space<vmem>>, %arg8: memref<3x64x128xf32, #tpu.memory_space<vmem>>, %arg9: memref<10240x128xf32, #tpu.memory_space<vmem_shared>>, %arg10: memref<!tpu.dma_semaphore, #tpu.memory_space<semaphore_mem>>) attributes {dimension_semantics = [#tpu.dimension_semantics<core_parallel>, #tpu.dimension_semantics<subcore_parallel>], iteration_bounds = array<i64: 2, 16>, scalar_prefetch = 0 : i64, scratch_operands = 5 : i64, tpu.core_type = #tpu.core_type<sc_vector_subcore>, window_params = [{transform_indices = #map}, {transform_indices = #map1}, {transform_indices = #map1}, {transform_indices = #map1}]} {
    %mul3A = arith.constant 2 : i32
    %mul3A_0 = arith.muli %arg1, %mul3A : i32
    %add3A = arith.addi %mul3A_0, %arg0 : i32
    %scan3A = arith.constant 0 : i32
    %scan3A_1 = arith.constant 64 : i32
    %scan3A_2 = arith.addi %scan3A, %scan3A_1 : i32
    %scan3A_3 = arith.constant 1 : i32
    scf.for %scan3A_43 = %scan3A to %scan3A_2 step %scan3A_3  : i32 {
      %mul3A_44 = arith.constant 1 : i32
      %mul3A_45 = arith.muli %scan3A_43, %mul3A_44 : i32
      %add3A_46 = arith.constant 0 : i32
      %add3A_47 = arith.addi %add3A_46, %mul3A_45 : i32
      %scan3A_48 = arith.constant 0 : i32
      %scan3A_49 = arith.constant 8 : i32
      %scan3A_50 = arith.addi %scan3A_48, %scan3A_49 : i32
      %scan3A_51 = arith.constant 1 : i32
      scf.for %scan3A_53 = %scan3A_48 to %scan3A_50 step %scan3A_51  : i32 {
        %mul3A_54 = arith.constant 1 : i32
        %mul3A_55 = arith.muli %scan3A_53, %mul3A_54 : i32
        %add3A_56 = arith.constant 0 : i32
        %add3A_57 = arith.addi %add3A_56, %mul3A_55 : i32
        %broadcast_in_dim3A = arith.constant 0.000000e+00 : f32
        %broadcast_in_dim3A_58 = vector.broadcast %broadcast_in_dim3A : f32 to vector<16xf32>
        %mul3A_59 = arith.constant 16 : i32
        %mul3A_60 = arith.muli %add3A_57, %mul3A_59 : i32
        %swap3A = arith.constant 0 : i32
        %swap3A_61 = arith.index_cast %swap3A : i32 to index
        %swap3A_62 = arith.index_cast %add3A_47 : i32 to index
        %swap3A_63 = arith.index_cast %mul3A_60 : i32 to index
        %swap3A_64 = tpu.vector_load %arg8[%swap3A_61, %swap3A_62, %swap3A_63] {strides = array<i32>} : memref<3x64x128xf32, #tpu.memory_space<vmem>>, vector<1x1x16xf32>,
        %swap3A_65 = vector.shape_cast %swap3A_64 : vector<1x1x16xf32> to vector<16xf32>
        %swap3A_66 = vector.shape_cast %broadcast_in_dim3A_58 : vector<16xf32> to vector<1x1x16xf32>
        tpu.vector_store %arg8[%swap3A_61, %swap3A_62, %swap3A_63], %swap3A_66 {strides = array<i32>} : memref<3x64x128xf32, #tpu.memory_space<vmem>>, vector<1x1x16xf32>,
      }
      %scan3A_52 = arith.constant 8 : i32
    }
    %scan3A_4 = arith.constant 64 : i32
    "tpu.region"() ({
      %run_scoped3A = tpu.sem_alloc : memref<!tpu.dma_semaphore, #tpu.memory_space<semaphore_mem>>
      %dma_start3A_43 = arith.constant 0 : i32
      %dma_start3A_44 = arith.constant 0 : i32
      %dma_start3A_45 = tpu.memref_slice %arg3[%add3A, %dma_start3A_43, %dma_start3A_44] : memref<32x80x64xi32, #tpu.memory_space<hbm>> -> memref<1x80x64xi32, #tpu.memory_space<hbm>>
      %dma_start3A_46 = tpu.memref_squeeze %dma_start3A_45 : memref<1x80x64xi32, #tpu.memory_space<hbm>> -> memref<80x64xi32, #tpu.memory_space<hbm>>
      %dma_start3A_47 = arith.constant 0 : i32
      %dma_start3A_48 = arith.constant 0 : i32
      %dma_start3A_49 = tpu.memref_slice %arg3[%add3A, %dma_start3A_47, %dma_start3A_48] : memref<32x80x64xi32, #tpu.memory_space<hbm>> -> memref<1x80x64xi32, #tpu.memory_space<hbm>>
      %dma_start3A_50 = tpu.memref_squeeze %dma_start3A_49 : memref<1x80x64xi32, #tpu.memory_space<hbm>> -> memref<80x64xi32, #tpu.memory_space<hbm>>
      tpu.enqueue_dma source(%dma_start3A_50 : memref<80x64xi32, #tpu.memory_space<hbm>>) target(%arg6 : memref<80x64xi32, #tpu.memory_space<vmem>>) target_semaphore(%run_scoped3A : memref<!tpu.dma_semaphore, #tpu.memory_space<semaphore_mem>>)
      %dma_wait3A = arith.constant 0 : i32
      %dma_wait3A_51 = arith.constant 0 : i32
      %dma_wait3A_52 = tpu.memref_slice %arg3[%add3A, %dma_wait3A, %dma_wait3A_51] : memref<32x80x64xi32, #tpu.memory_space<hbm>> -> memref<1x80x64xi32, #tpu.memory_space<hbm>>
      %dma_wait3A_53 = tpu.memref_squeeze %dma_wait3A_52 : memref<1x80x64xi32, #tpu.memory_space<hbm>> -> memref<80x64xi32, #tpu.memory_space<hbm>>
      %dma_wait3A_54 = arith.constant 0 : i32
      %dma_wait3A_55 = arith.constant 0 : i32
      %dma_wait3A_56 = tpu.memref_slice %arg3[%add3A, %dma_wait3A_54, %dma_wait3A_55] : memref<32x80x64xi32, #tpu.memory_space<hbm>> -> memref<1x80x64xi32, #tpu.memory_space<hbm>>
      %dma_wait3A_57 = tpu.memref_squeeze %dma_wait3A_56 : memref<1x80x64xi32, #tpu.memory_space<hbm>> -> memref<80x64xi32, #tpu.memory_space<hbm>>
      tpu.wait_dma2 semaphore(%run_scoped3A : memref<!tpu.dma_semaphore, #tpu.memory_space<semaphore_mem>>) src(%dma_wait3A_57 : memref<80x64xi32, #tpu.memory_space<hbm>>) dst(%arg6 : memref<80x64xi32, #tpu.memory_space<vmem>>)
      tpu.yield
    }) : () -> ()
    "tpu.region"() ({
      %run_scoped3A = tpu.sem_alloc : memref<!tpu.dma_semaphore, #tpu.memory_space<semaphore_mem>>
      %dma_start3A_43 = arith.constant 0 : i32
      %dma_start3A_44 = arith.constant 0 : i32
      %dma_start3A_45 = tpu.memref_slice %arg4[%add3A, %dma_start3A_43, %dma_start3A_44] : memref<32x80x64xi32, #tpu.memory_space<hbm>> -> memref<1x80x64xi32, #tpu.memory_space<hbm>>
      %dma_start3A_46 = tpu.memref_squeeze %dma_start3A_45 : memref<1x80x64xi32, #tpu.memory_space<hbm>> -> memref<80x64xi32, #tpu.memory_space<hbm>>
      %dma_start3A_47 = arith.constant 0 : i32
      %dma_start3A_48 = arith.constant 0 : i32
      %dma_start3A_49 = tpu.memref_slice %arg4[%add3A, %dma_start3A_47, %dma_start3A_48] : memref<32x80x64xi32, #tpu.memory_space<hbm>> -> memref<1x80x64xi32, #tpu.memory_space<hbm>>
      %dma_start3A_50 = tpu.memref_squeeze %dma_start3A_49 : memref<1x80x64xi32, #tpu.memory_space<hbm>> -> memref<80x64xi32, #tpu.memory_space<hbm>>
      tpu.enqueue_dma source(%dma_start3A_50 : memref<80x64xi32, #tpu.memory_space<hbm>>) target(%arg7 : memref<80x64xi32, #tpu.memory_space<vmem>>) target_semaphore(%run_scoped3A : memref<!tpu.dma_semaphore, #tpu.memory_space<semaphore_mem>>)
      %dma_wait3A = arith.constant 0 : i32
      %dma_wait3A_51 = arith.constant 0 : i32
      %dma_wait3A_52 = tpu.memref_slice %arg4[%add3A, %dma_wait3A, %dma_wait3A_51] : memref<32x80x64xi32, #tpu.memory_space<hbm>> -> memref<1x80x64xi32, #tpu.memory_space<hbm>>
      %dma_wait3A_53 = tpu.memref_squeeze %dma_wait3A_52 : memref<1x80x64xi32, #tpu.memory_space<hbm>> -> memref<80x64xi32, #tpu.memory_space<hbm>>
      %dma_wait3A_54 = arith.constant 0 : i32
      %dma_wait3A_55 = arith.constant 0 : i32
      %dma_wait3A_56 = tpu.memref_slice %arg4[%add3A, %dma_wait3A_54, %dma_wait3A_55] : memref<32x80x64xi32, #tpu.memory_space<hbm>> -> memref<1x80x64xi32, #tpu.memory_space<hbm>>
      %dma_wait3A_57 = tpu.memref_squeeze %dma_wait3A_56 : memref<1x80x64xi32, #tpu.memory_space<hbm>> -> memref<80x64xi32, #tpu.memory_space<hbm>>
      tpu.wait_dma2 semaphore(%run_scoped3A : memref<!tpu.dma_semaphore, #tpu.memory_space<semaphore_mem>>) src(%dma_wait3A_57 : memref<80x64xi32, #tpu.memory_space<hbm>>) dst(%arg7 : memref<80x64xi32, #tpu.memory_space<vmem>>)
      tpu.yield
    }) : () -> ()
    %scan3A_5 = arith.constant 0 : i32
    %scan3A_6 = arith.constant 10 : i32
    %scan3A_7 = arith.addi %scan3A_5, %scan3A_6 : i32
    %scan3A_8 = arith.constant 1 : i32
    scf.for %scan3A_43 = %scan3A_5 to %scan3A_7 step %scan3A_8  : i32 {
      %mul3A_44 = arith.constant 1 : i32
      %mul3A_45 = arith.muli %scan3A_43, %mul3A_44 : i32
      %add3A_46 = arith.constant 0 : i32
      %add3A_47 = arith.addi %add3A_46, %mul3A_45 : i32
      %mul3A_48 = arith.constant 640 : i32
      %mul3A_49 = arith.muli %arg1, %mul3A_48 : i32
      %mul3A_50 = arith.constant 64 : i32
      %mul3A_51 = arith.muli %add3A_47, %mul3A_50 : i32
      %add3A_52 = arith.addi %mul3A_49, %mul3A_51 : i32
      %run_scoped3A = arith.constant 0 : i32
      "tpu.region"() ({
        %run_scoped3A_53 = tpu.sem_alloc : memref<!tpu.dma_semaphore, #tpu.memory_space<semaphore_mem>>
        %dma_start3A_54 = arith.constant 0 : i32
        %dma_start3A_55 = arith.constant 0 : i32
        %dma_start3A_56 = tpu.memref_slice %arg8[%run_scoped3A, %dma_start3A_54, %dma_start3A_55] : memref<3x64x128xf32, #tpu.memory_space<vmem>> -> memref<1x64x128xf32, #tpu.memory_space<vmem>>
        %dma_start3A_57 = tpu.memref_squeeze %dma_start3A_56 : memref<1x64x128xf32, #tpu.memory_space<vmem>> -> memref<64x128xf32, #tpu.memory_space<vmem>>
        %dma_start3A_58 = arith.constant 0 : i32
        %dma_start3A_59 = tpu.memref_slice %arg9[%add3A_52, %dma_start3A_58] : memref<10240x128xf32, #tpu.memory_space<vmem_shared>> -> memref<64x128xf32, #tpu.memory_space<vmem_shared>>
        %dma_start3A_60 = arith.constant 0 : i32
        %dma_start3A_61 = tpu.memref_slice %arg9[%add3A_52, %dma_start3A_60] : memref<10240x128xf32, #tpu.memory_space<vmem_shared>> -> memref<64x128xf32, #tpu.memory_space<vmem_shared>>
        %dma_start3A_62 = arith.constant 0 : i32
        %dma_start3A_63 = arith.constant 0 : i32
        %dma_start3A_64 = tpu.memref_slice %arg8[%run_scoped3A, %dma_start3A_62, %dma_start3A_63] : memref<3x64x128xf32, #tpu.memory_space<vmem>> -> memref<1x64x128xf32, #tpu.memory_space<vmem>>
        %dma_start3A_65 = tpu.memref_squeeze %dma_start3A_64 : memref<1x64x128xf32, #tpu.memory_space<vmem>> -> memref<64x128xf32, #tpu.memory_space<vmem>>
        tpu.enqueue_dma source(%dma_start3A_65 : memref<64x128xf32, #tpu.memory_space<vmem>>) target(%dma_start3A_61 : memref<64x128xf32, #tpu.memory_space<vmem_shared>>) target_semaphore(%run_scoped3A_53 : memref<!tpu.dma_semaphore, #tpu.memory_space<semaphore_mem>>)
        %dma_wait3A = arith.constant 0 : i32
        %dma_wait3A_66 = arith.constant 0 : i32
        %dma_wait3A_67 = tpu.memref_slice %arg8[%run_scoped3A, %dma_wait3A, %dma_wait3A_66] : memref<3x64x128xf32, #tpu.memory_space<vmem>> -> memref<1x64x128xf32, #tpu.memory_space<vmem>>
        %dma_wait3A_68 = tpu.memref_squeeze %dma_wait3A_67 : memref<1x64x128xf32, #tpu.memory_space<vmem>> -> memref<64x128xf32, #tpu.memory_space<vmem>>
        %dma_wait3A_69 = arith.constant 0 : i32
        %dma_wait3A_70 = tpu.memref_slice %arg9[%add3A_52, %dma_wait3A_69] : memref<10240x128xf32, #tpu.memory_space<vmem_shared>> -> memref<64x128xf32, #tpu.memory_space<vmem_shared>>
        %dma_wait3A_71 = arith.constant 0 : i32
        %dma_wait3A_72 = tpu.memref_slice %arg9[%add3A_52, %dma_wait3A_71] : memref<10240x128xf32, #tpu.memory_space<vmem_shared>> -> memref<64x128xf32, #tpu.memory_space<vmem_shared>>
        %dma_wait3A_73 = arith.constant 0 : i32
        %dma_wait3A_74 = arith.constant 0 : i32
        %dma_wait3A_75 = tpu.memref_slice %arg8[%run_scoped3A, %dma_wait3A_73, %dma_wait3A_74] : memref<3x64x128xf32, #tpu.memory_space<vmem>> -> memref<1x64x128xf32, #tpu.memory_space<vmem>>
        %dma_wait3A_76 = tpu.memref_squeeze %dma_wait3A_75 : memref<1x64x128xf32, #tpu.memory_space<vmem>> -> memref<64x128xf32, #tpu.memory_space<vmem>>
        tpu.wait_dma2 semaphore(%run_scoped3A_53 : memref<!tpu.dma_semaphore, #tpu.memory_space<semaphore_mem>>) src(%dma_wait3A_76 : memref<64x128xf32, #tpu.memory_space<vmem>>) dst(%dma_wait3A_72 : memref<64x128xf32, #tpu.memory_space<vmem_shared>>)
        tpu.yield
      }) : () -> ()
    }
    %scan3A_9 = arith.constant 10 : i32
    %barrier3A = arith.constant 0 : index
    tpu.barrier barrier_id(%barrier3A)
    %dma_start3A = arith.constant 0 : i32
    %dma_start3A_10 = arith.constant 0 : i32
    %dma_start3A_11 = arith.constant 0 : i32
    %dma_start3A_12 = arith.constant 0 : i32
    %dma_start3A_13 = tpu.memref_slice %arg8[%dma_start3A_10, %dma_start3A_11, %dma_start3A_12] : memref<3x64x128xf32, #tpu.memory_space<vmem>> -> memref<1x64x128xf32, #tpu.memory_space<vmem>>
    %dma_start3A_14 = tpu.memref_squeeze %dma_start3A_13 : memref<1x64x128xf32, #tpu.memory_space<vmem>> -> memref<64x128xf32, #tpu.memory_space<vmem>>
    %dma_start3A_15 = arith.constant 0 : i32
    %dma_start3A_16 = tpu.memref_slice %arg6[%dma_start3A, %dma_start3A_15] : memref<80x64xi32, #tpu.memory_space<vmem>> -> memref<1x64xi32, #tpu.memory_space<vmem>>
    %dma_start3A_17 = tpu.memref_squeeze %dma_start3A_16 : memref<1x64xi32, #tpu.memory_space<vmem>> -> memref<64xi32, #tpu.memory_space<vmem>>
    %dma_start3A_18 = arith.constant 0 : i32
    %dma_start3A_19 = arith.constant 0 : i32
    %dma_start3A_20 = tpu.memref_slice %arg2[%dma_start3A_18, %dma_start3A_19] : memref<10240x128xf32, #tpu.memory_space<hbm>> -> memref<10240x128xf32, #tpu.memory_space<hbm>>
    tpu.enqueue_indirect_dma source(%dma_start3A_20 : memref<10240x128xf32, #tpu.memory_space<hbm>>) target(%dma_start3A_14 : memref<64x128xf32, #tpu.memory_space<vmem>>) offsets(%dma_start3A_17 : memref<64xi32, #tpu.memory_space<vmem>>) semaphore(%arg10 : memref<!tpu.dma_semaphore, #tpu.memory_space<semaphore_mem>>)
    %dma_start3A_21 = arith.constant 1 : i32
    %dma_start3A_22 = arith.constant 1 : i32
    %dma_start3A_23 = arith.constant 0 : i32
    %dma_start3A_24 = arith.constant 0 : i32
    %dma_start3A_25 = tpu.memref_slice %arg8[%dma_start3A_22, %dma_start3A_23, %dma_start3A_24] : memref<3x64x128xf32, #tpu.memory_space<vmem>> -> memref<1x64x128xf32, #tpu.memory_space<vmem>>
    %dma_start3A_26 = tpu.memref_squeeze %dma_start3A_25 : memref<1x64x128xf32, #tpu.memory_space<vmem>> -> memref<64x128xf32, #tpu.memory_space<vmem>>
    %dma_start3A_27 = arith.constant 0 : i32
    %dma_start3A_28 = tpu.memref_slice %arg6[%dma_start3A_21, %dma_start3A_27] : memref<80x64xi32, #tpu.memory_space<vmem>> -> memref<1x64xi32, #tpu.memory_space<vmem>>
    %dma_start3A_29 = tpu.memref_squeeze %dma_start3A_28 : memref<1x64xi32, #tpu.memory_space<vmem>> -> memref<64xi32, #tpu.memory_space<vmem>>
    %dma_start3A_30 = arith.constant 0 : i32
    %dma_start3A_31 = arith.constant 0 : i32
    %dma_start3A_32 = tpu.memref_slice %arg2[%dma_start3A_30, %dma_start3A_31] : memref<10240x128xf32, #tpu.memory_space<hbm>> -> memref<10240x128xf32, #tpu.memory_space<hbm>>
    tpu.enqueue_indirect_dma source(%dma_start3A_32 : memref<10240x128xf32, #tpu.memory_space<hbm>>) target(%dma_start3A_26 : memref<64x128xf32, #tpu.memory_space<vmem>>) offsets(%dma_start3A_29 : memref<64xi32, #tpu.memory_space<vmem>>) semaphore(%arg10 : memref<!tpu.dma_semaphore, #tpu.memory_space<semaphore_mem>>)
    %scan3A_33 = arith.constant 0 : i32
    %scan3A_34 = arith.constant 80 : i32
    %scan3A_35 = arith.addi %scan3A_33, %scan3A_34 : i32
    %scan3A_36 = arith.constant 1 : i32
    scf.for %scan3A_43 = %scan3A_33 to %scan3A_35 step %scan3A_36  : i32 {
      %mul3A_44 = arith.constant 1 : i32
      %mul3A_45 = arith.muli %scan3A_43, %mul3A_44 : i32
      %add3A_46 = arith.constant 0 : i32
      %add3A_47 = arith.addi %add3A_46, %mul3A_45 : i32
      %rem3A = arith.constant 3 : i32
      %rem3A_48 = arith.remsi %add3A_47, %rem3A : i32
      %dma_wait3A = arith.constant 0 : i32
      %dma_wait3A_49 = arith.constant 0 : i32
      %dma_wait3A_50 = tpu.memref_slice %arg8[%rem3A_48, %dma_wait3A, %dma_wait3A_49] : memref<3x64x128xf32, #tpu.memory_space<vmem>> -> memref<1x64x128xf32, #tpu.memory_space<vmem>>
      %dma_wait3A_51 = tpu.memref_squeeze %dma_wait3A_50 : memref<1x64x128xf32, #tpu.memory_space<vmem>> -> memref<64x128xf32, #tpu.memory_space<vmem>>
      %dma_wait3A_52 = arith.constant 0 : i32
      %dma_wait3A_53 = tpu.memref_slice %arg6[%add3A_47, %dma_wait3A_52] : memref<80x64xi32, #tpu.memory_space<vmem>> -> memref<1x64xi32, #tpu.memory_space<vmem>>
      %dma_wait3A_54 = tpu.memref_squeeze %dma_wait3A_53 : memref<1x64xi32, #tpu.memory_space<vmem>> -> memref<64xi32, #tpu.memory_space<vmem>>
      %dma_wait3A_55 = arith.constant 0 : i32
      %dma_wait3A_56 = arith.constant 0 : i32
      %dma_wait3A_57 = tpu.memref_slice %arg2[%dma_wait3A_55, %dma_wait3A_56] : memref<10240x128xf32, #tpu.memory_space<hbm>> -> memref<10240x128xf32, #tpu.memory_space<hbm>>
      tpu.wait_indirect_dma semaphore(%arg10 : memref<!tpu.dma_semaphore, #tpu.memory_space<semaphore_mem>>) src(%dma_wait3A_57 : memref<10240x128xf32, #tpu.memory_space<hbm>>) dst(%dma_wait3A_51 : memref<64x128xf32, #tpu.memory_space<vmem>>)
      %add3A_58 = arith.constant 3 : i32
      %add3A_59 = arith.addi %add3A_47, %add3A_58 : i32
      %sub3A = arith.constant 1 : i32
      %sub3A_60 = arith.subi %add3A_59, %sub3A : i32
      %lt3A = arith.constant 80 : i32
      %lt3A_61 = arith.cmpi slt, %sub3A_60, %lt3A : i32
      %convert_element_type3A = arith.extui %lt3A_61 : i1 to i32
      %cond3A = arith.constant 0 : i32
      %cond3A_62 = arith.cmpi ne, %convert_element_type3A, %cond3A : i32
      scf.if %cond3A_62 {
        %add3A_63 = arith.constant 3 : i32
        %add3A_64 = arith.addi %add3A_47, %add3A_63 : i32
        %sub3A_65 = arith.constant 1 : i32
        %sub3A_66 = arith.subi %add3A_64, %sub3A_65 : i32
        %add3A_67 = arith.constant 3 : i32
        %add3A_68 = arith.addi %add3A_47, %add3A_67 : i32
        %sub3A_69 = arith.constant 1 : i32
        %sub3A_70 = arith.subi %add3A_68, %sub3A_69 : i32
        %rem3A_71 = arith.constant 3 : i32
        %rem3A_72 = arith.remsi %sub3A_70, %rem3A_71 : i32
        %dma_start3A_73 = arith.constant 0 : i32
        %dma_start3A_74 = arith.constant 0 : i32
        %dma_start3A_75 = tpu.memref_slice %arg8[%rem3A_72, %dma_start3A_73, %dma_start3A_74] : memref<3x64x128xf32, #tpu.memory_space<vmem>> -> memref<1x64x128xf32, #tpu.memory_space<vmem>>
        %dma_start3A_76 = tpu.memref_squeeze %dma_start3A_75 : memref<1x64x128xf32, #tpu.memory_space<vmem>> -> memref<64x128xf32, #tpu.memory_space<vmem>>
        %dma_start3A_77 = arith.constant 0 : i32
        %dma_start3A_78 = tpu.memref_slice %arg6[%sub3A_66, %dma_start3A_77] : memref<80x64xi32, #tpu.memory_space<vmem>> -> memref<1x64xi32, #tpu.memory_space<vmem>>
        %dma_start3A_79 = tpu.memref_squeeze %dma_start3A_78 : memref<1x64xi32, #tpu.memory_space<vmem>> -> memref<64xi32, #tpu.memory_space<vmem>>
        %dma_start3A_80 = arith.constant 0 : i32
        %dma_start3A_81 = arith.constant 0 : i32
        %dma_start3A_82 = tpu.memref_slice %arg2[%dma_start3A_80, %dma_start3A_81] : memref<10240x128xf32, #tpu.memory_space<hbm>> -> memref<10240x128xf32, #tpu.memory_space<hbm>>
        tpu.enqueue_indirect_dma source(%dma_start3A_82 : memref<10240x128xf32, #tpu.memory_space<hbm>>) target(%dma_start3A_76 : memref<64x128xf32, #tpu.memory_space<vmem>>) offsets(%dma_start3A_79 : memref<64xi32, #tpu.memory_space<vmem>>) semaphore(%arg10 : memref<!tpu.dma_semaphore, #tpu.memory_space<semaphore_mem>>)
      } else {
      }
      "tpu.region"() ({
        %run_scoped3A = tpu.sem_alloc : memref<!tpu.dma_semaphore, #tpu.memory_space<semaphore_mem>>
        %dma_start3A_63 = arith.constant 0 : i32
        %dma_start3A_64 = arith.constant 0 : i32
        %dma_start3A_65 = tpu.memref_slice %arg8[%rem3A_48, %dma_start3A_63, %dma_start3A_64] : memref<3x64x128xf32, #tpu.memory_space<vmem>> -> memref<1x64x128xf32, #tpu.memory_space<vmem>>
        %dma_start3A_66 = tpu.memref_squeeze %dma_start3A_65 : memref<1x64x128xf32, #tpu.memory_space<vmem>> -> memref<64x128xf32, #tpu.memory_space<vmem>>
        %dma_start3A_67 = arith.constant 0 : i32
        %dma_start3A_68 = tpu.memref_slice %arg7[%add3A_47, %dma_start3A_67] : memref<80x64xi32, #tpu.memory_space<vmem>> -> memref<1x64xi32, #tpu.memory_space<vmem>>
        %dma_start3A_69 = tpu.memref_squeeze %dma_start3A_68 : memref<1x64xi32, #tpu.memory_space<vmem>> -> memref<64xi32, #tpu.memory_space<vmem>>
        %dma_start3A_70 = arith.constant 0 : i32
        %dma_start3A_71 = arith.constant 0 : i32
        %dma_start3A_72 = tpu.memref_slice %arg9[%dma_start3A_70, %dma_start3A_71] : memref<10240x128xf32, #tpu.memory_space<vmem_shared>> -> memref<10240x128xf32, #tpu.memory_space<vmem_shared>>
        tpu.enqueue_indirect_dma source(%dma_start3A_66 : memref<64x128xf32, #tpu.memory_space<vmem>>) target(%dma_start3A_72 : memref<10240x128xf32, #tpu.memory_space<vmem_shared>>) offsets(%dma_start3A_69 : memref<64xi32, #tpu.memory_space<vmem>>) semaphore(%run_scoped3A : memref<!tpu.dma_semaphore, #tpu.memory_space<semaphore_mem>>) {add = true}
        %dma_wait3A_73 = arith.constant 0 : i32
        %dma_wait3A_74 = arith.constant 0 : i32
        %dma_wait3A_75 = tpu.memref_slice %arg8[%rem3A_48, %dma_wait3A_73, %dma_wait3A_74] : memref<3x64x128xf32, #tpu.memory_space<vmem>> -> memref<1x64x128xf32, #tpu.memory_space<vmem>>
        %dma_wait3A_76 = tpu.memref_squeeze %dma_wait3A_75 : memref<1x64x128xf32, #tpu.memory_space<vmem>> -> memref<64x128xf32, #tpu.memory_space<vmem>>
        %dma_wait3A_77 = arith.constant 0 : i32
        %dma_wait3A_78 = tpu.memref_slice %arg7[%add3A_47, %dma_wait3A_77] : memref<80x64xi32, #tpu.memory_space<vmem>> -> memref<1x64xi32, #tpu.memory_space<vmem>>
        %dma_wait3A_79 = tpu.memref_squeeze %dma_wait3A_78 : memref<1x64xi32, #tpu.memory_space<vmem>> -> memref<64xi32, #tpu.memory_space<vmem>>
        %dma_wait3A_80 = arith.constant 0 : i32
        %dma_wait3A_81 = arith.constant 0 : i32
        %dma_wait3A_82 = tpu.memref_slice %arg9[%dma_wait3A_80, %dma_wait3A_81] : memref<10240x128xf32, #tpu.memory_space<vmem_shared>> -> memref<10240x128xf32, #tpu.memory_space<vmem_shared>>
        tpu.wait_indirect_dma semaphore(%run_scoped3A : memref<!tpu.dma_semaphore, #tpu.memory_space<semaphore_mem>>) src(%dma_wait3A_76 : memref<64x128xf32, #tpu.memory_space<vmem>>) dst(%dma_wait3A_82 : memref<10240x128xf32, #tpu.memory_space<vmem_shared>>)
        tpu.yield
      }) : () -> ()
    }
    %scan3A_37 = arith.constant 80 : i32
    %barrier3A_38 = arith.constant 0 : index
    tpu.barrier barrier_id(%barrier3A_38)
    %mul3A_39 = arith.constant 640 : i32
    %mul3A_40 = arith.muli %arg1, %mul3A_39 : i32
    %mul3A_41 = arith.constant 640 : i32
    %mul3A_42 = arith.muli %arg1, %mul3A_41 : i32
    "tpu.region"() ({
      %run_scoped3A = tpu.sem_alloc : memref<!tpu.dma_semaphore, #tpu.memory_space<semaphore_mem>>
      %dma_start3A_43 = arith.constant 0 : i32
      %dma_start3A_44 = tpu.memref_slice %arg5[%arg0, %mul3A_42, %dma_start3A_43] : memref<2x10240x128xf32, #tpu.memory_space<hbm>> -> memref<1x640x128xf32, #tpu.memory_space<hbm>>
      %dma_start3A_45 = tpu.memref_squeeze %dma_start3A_44 : memref<1x640x128xf32, #tpu.memory_space<hbm>> -> memref<640x128xf32, #tpu.memory_space<hbm>>
      %dma_start3A_46 = arith.constant 0 : i32
      %dma_start3A_47 = tpu.memref_slice %arg9[%mul3A_40, %dma_start3A_46] : memref<10240x128xf32, #tpu.memory_space<vmem_shared>> -> memref<640x128xf32, #tpu.memory_space<vmem_shared>>
      tpu.enqueue_dma source(%dma_start3A_47 : memref<640x128xf32, #tpu.memory_space<vmem_shared>>) target(%dma_start3A_45 : memref<640x128xf32, #tpu.memory_space<hbm>>) target_semaphore(%run_scoped3A : memref<!tpu.dma_semaphore, #tpu.memory_space<semaphore_mem>>)
      %dma_wait3A = arith.constant 0 : i32
      %dma_wait3A_48 = tpu.memref_slice %arg5[%arg0, %mul3A_42, %dma_wait3A] : memref<2x10240x128xf32, #tpu.memory_space<hbm>> -> memref<1x640x128xf32, #tpu.memory_space<hbm>>
      %dma_wait3A_49 = tpu.memref_squeeze %dma_wait3A_48 : memref<1x640x128xf32, #tpu.memory_space<hbm>> -> memref<640x128xf32, #tpu.memory_space<hbm>>
      %dma_wait3A_50 = arith.constant 0 : i32
      %dma_wait3A_51 = tpu.memref_slice %arg9[%mul3A_40, %dma_wait3A_50] : memref<10240x128xf32, #tpu.memory_space<vmem_shared>> -> memref<640x128xf32, #tpu.memory_space<vmem_shared>>
      tpu.wait_dma2 semaphore(%run_scoped3A : memref<!tpu.dma_semaphore, #tpu.memory_space<semaphore_mem>>) src(%dma_wait3A_51 : memref<640x128xf32, #tpu.memory_space<vmem_shared>>) dst(%dma_wait3A_49 : memref<640x128xf32, #tpu.memory_space<hbm>>)
      tpu.yield
    }) : () -> ()
    return
  }
}

module attributes {stable_mosaic.version = 14 : i64} {
  func.func @_mm1_body(%arg0: i32, %arg1: memref<10000x256xf32, #tpu.memory_space<vmem>>, %arg2: memref<256x128xf32, #tpu.memory_space<vmem>>, %arg3: memref<2x10000x1xf32, #tpu.memory_space<vmem>>, %arg4: memref<10000x128xf32, #tpu.memory_space<vmem>>, %arg5: memref<10000x1xf32, #tpu.memory_space<vmem>>) attributes {dimension_semantics = [#tpu.dimension_semantics<arbitrary>], iteration_bounds = array<i64: 1>, scalar_prefetch = 0 : i64, scratch_operands = 0 : i64, tpu.core_type = #tpu.core_type<tc>, window_params = [{transform_indices = @transform_0, window_bounds = array<i64: 10000, 256>}, {pipeline_mode = #tpu.pipeline_mode<synchronous>, transform_indices = @transform_1, window_bounds = array<i64: 256, 128>}, {transform_indices = @transform_2, window_bounds = array<i64: 2, 10000, 1>}, {transform_indices = @transform_3, window_bounds = array<i64: 10000, 128>}, {transform_indices = @transform_4, window_bounds = array<i64: 10000, 1>}]} {
    %get3A = arith.constant 0 : index
    %get3A_0 = arith.constant 0 : index
    %get3A_1 = arith.constant 0 : index
    %get3A_2 = vector.load %arg3[%get3A, %get3A_0, %get3A_1] : memref<2x10000x1xf32, #tpu.memory_space<vmem>>, vector<1x10000x1xf32>
    %get3A_3 = vector.shape_cast %get3A_2 : vector<1x10000x1xf32> to vector<10000x1xf32>
    %get3A_4 = arith.constant 1 : index
    %get3A_5 = arith.constant 0 : index
    %get3A_6 = arith.constant 0 : index
    %get3A_7 = vector.load %arg3[%get3A_4, %get3A_5, %get3A_6] : memref<2x10000x1xf32, #tpu.memory_space<vmem>>, vector<1x10000x1xf32>
    %get3A_8 = vector.shape_cast %get3A_7 : vector<1x10000x1xf32> to vector<10000x1xf32>
    %add3A = arith.addf %get3A_3, %get3A_8 : vector<10000x1xf32>
    %add3A_9 = arith.constant 1.000000e+00 : f32
    %add3A_10 = vector.broadcast %add3A_9 : f32 to vector<10000x1xf32>
    %add3A_11 = arith.addf %add3A, %add3A_10 : vector<10000x1xf32>
    %rsqrt3A = math.rsqrt %add3A_11 : vector<10000x1xf32>
    %get3A_12 = arith.constant 0 : index
    %get3A_13 = arith.constant 0 : index
    %get3A_14 = vector.load %arg1[%get3A_12, %get3A_13] : memref<10000x256xf32, #tpu.memory_space<vmem>>, vector<10000x256xf32>
    %get3A_15 = arith.constant 0 : index
    %get3A_16 = arith.constant 0 : index
    %get3A_17 = vector.load %arg2[%get3A_15, %get3A_16] : memref<256x128xf32, #tpu.memory_space<vmem>>, vector<256x128xf32>
    %dot_general3A = arith.constant dense<0.000000e+00> : vector<10000x128xf32>
    %dot_general3A_18 = tpu.matmul %get3A_14, %get3A_17, %dot_general3A {dimension_numbers = #tpu.dot_dimension_numbers<[1], [0], [0], [1], [0, 0, 1, 1], [], []>, transpose_lhs_hint = false} : vector<10000x256xf32>, vector<256x128xf32>, vector<10000x128xf32> -> vector<10000x128xf32>
    %mul3A = vector.broadcast %rsqrt3A : vector<10000x1xf32> to vector<10000x128xf32>
    %mul3A_19 = arith.mulf %dot_general3A_18, %mul3A : vector<10000x128xf32>
    %swap3A = arith.constant 0 : index
    %swap3A_20 = arith.constant 0 : index
    %swap3A_21 = vector.load %arg4[%swap3A, %swap3A_20] : memref<10000x128xf32, #tpu.memory_space<vmem>>, vector<10000x128xf32>
    tpu.vector_store %arg4[%swap3A, %swap3A_20], %mul3A_19 {strides = array<i32>} : memref<10000x128xf32, #tpu.memory_space<vmem>>, vector<10000x128xf32>,
    %swap3A_22 = arith.constant 0 : index
    %swap3A_23 = arith.constant 0 : index
    %swap3A_24 = vector.load %arg5[%swap3A_22, %swap3A_23] : memref<10000x1xf32, #tpu.memory_space<vmem>>, vector<10000x1xf32>
    tpu.vector_store %arg5[%swap3A_22, %swap3A_23], %rsqrt3A {strides = array<i32>} : memref<10000x1xf32, #tpu.memory_space<vmem>>, vector<10000x1xf32>,
    return
  }
  func.func @transform_0(%arg0: i32) -> (i32, i32) {
    %c0_i32 = arith.constant 0 : i32
    %c0_i32_0 = arith.constant 0 : i32
    return %arg0, %c0_i32 : i32, i32
  }
  func.func @transform_1(%arg0: i32) -> (i32, i32) {
    %c0_i32 = arith.constant 0 : i32
    %c0_i32_0 = arith.constant 0 : i32
    %c0_i32_1 = arith.constant 0 : i32
    return %c0_i32, %c0_i32_0 : i32, i32
  }
  func.func @transform_2(%arg0: i32) -> (i32, i32, i32) {
    %c0_i32 = arith.constant 0 : i32
    %c0_i32_0 = arith.constant 0 : i32
    %c0_i32_1 = arith.constant 0 : i32
    return %c0_i32, %arg0, %c0_i32_0 : i32, i32, i32
  }
  func.func @transform_3(%arg0: i32) -> (i32, i32) {
    %c0_i32 = arith.constant 0 : i32
    %c0_i32_0 = arith.constant 0 : i32
    return %arg0, %c0_i32 : i32, i32
  }
  func.func @transform_4(%arg0: i32) -> (i32, i32) {
    %c0_i32 = arith.constant 0 : i32
    %c0_i32_0 = arith.constant 0 : i32
    return %arg0, %c0_i32 : i32, i32
  }
}

module attributes {stable_mosaic.version = 14 : i64} {
  func.func @_mid_body(%arg0: i32, %arg1: memref<2x10000x128xf32, #tpu.memory_space<vmem>>, %arg2: memref<10000x128xf32, #tpu.memory_space<vmem>>, %arg3: memref<10000x1xf32, #tpu.memory_space<vmem>>, %arg4: memref<1x128xf32, #tpu.memory_space<vmem>>, %arg5: memref<10000x128xf32, #tpu.memory_space<vmem>>) attributes {dimension_semantics = [#tpu.dimension_semantics<arbitrary>], iteration_bounds = array<i64: 1>, scalar_prefetch = 0 : i64, scratch_operands = 0 : i64, tpu.core_type = #tpu.core_type<tc>, window_params = [{transform_indices = @transform_0, window_bounds = array<i64: 2, 10000, 128>}, {transform_indices = @transform_1, window_bounds = array<i64: 10000, 128>}, {transform_indices = @transform_2, window_bounds = array<i64: 10000, 1>}, {pipeline_mode = #tpu.pipeline_mode<synchronous>, transform_indices = @transform_3, window_bounds = array<i64: 1, 128>}, {transform_indices = @transform_4, window_bounds = array<i64: 10000, 128>}]} {
    %get3A = arith.constant 0 : index
    %get3A_0 = arith.constant 0 : index
    %get3A_1 = vector.load %arg3[%get3A, %get3A_0] : memref<10000x1xf32, #tpu.memory_space<vmem>>, vector<10000x1xf32>
    %get3A_2 = arith.constant 0 : index
    %get3A_3 = arith.constant 0 : index
    %get3A_4 = arith.constant 0 : index
    %get3A_5 = vector.load %arg1[%get3A_2, %get3A_3, %get3A_4] : memref<2x10000x128xf32, #tpu.memory_space<vmem>>, vector<1x10000x128xf32>
    %get3A_6 = vector.shape_cast %get3A_5 : vector<1x10000x128xf32> to vector<10000x128xf32>
    %get3A_7 = arith.constant 1 : index
    %get3A_8 = arith.constant 0 : index
    %get3A_9 = arith.constant 0 : index
    %get3A_10 = vector.load %arg1[%get3A_7, %get3A_8, %get3A_9] : memref<2x10000x128xf32, #tpu.memory_space<vmem>>, vector<1x10000x128xf32>
    %get3A_11 = vector.shape_cast %get3A_10 : vector<1x10000x128xf32> to vector<10000x128xf32>
    %add3A = arith.addf %get3A_6, %get3A_11 : vector<10000x128xf32>
    %get3A_12 = arith.constant 0 : index
    %get3A_13 = arith.constant 0 : index
    %get3A_14 = vector.load %arg2[%get3A_12, %get3A_13] : memref<10000x128xf32, #tpu.memory_space<vmem>>, vector<10000x128xf32>
    %add3A_15 = arith.addf %add3A, %get3A_14 : vector<10000x128xf32>
    %mul3A = vector.broadcast %get3A_1 : vector<10000x1xf32> to vector<10000x128xf32>
    %mul3A_16 = arith.mulf %mul3A, %add3A_15 : vector<10000x128xf32>
    %get3A_17 = arith.constant 0 : index
    %get3A_18 = arith.constant 0 : index
    %get3A_19 = vector.load %arg4[%get3A_17, %get3A_18] : memref<1x128xf32, #tpu.memory_space<vmem>>, vector<1x128xf32>
    %add3A_20 = vector.broadcast %get3A_19 : vector<1x128xf32> to vector<10000x128xf32>
    %add3A_21 = arith.addf %mul3A_16, %add3A_20 : vector<10000x128xf32>
    %max3A = arith.constant 0.000000e+00 : f32
    %max3A_22 = vector.broadcast %max3A : f32 to vector<10000x128xf32>
    %max3A_23 = arith.maximumf %add3A_21, %max3A_22 : vector<10000x128xf32>
    %get3A_24 = arith.constant 0 : index
    %get3A_25 = arith.constant 0 : index
    %get3A_26 = vector.load %arg3[%get3A_24, %get3A_25] : memref<10000x1xf32, #tpu.memory_space<vmem>>, vector<10000x1xf32>
    %mul3A_27 = vector.broadcast %get3A_26 : vector<10000x1xf32> to vector<10000x128xf32>
    %mul3A_28 = arith.mulf %max3A_23, %mul3A_27 : vector<10000x128xf32>
    %swap3A = arith.constant 0 : index
    %swap3A_29 = arith.constant 0 : index
    %swap3A_30 = vector.load %arg5[%swap3A, %swap3A_29] : memref<10000x128xf32, #tpu.memory_space<vmem>>, vector<10000x128xf32>
    tpu.vector_store %arg5[%swap3A, %swap3A_29], %mul3A_28 {strides = array<i32>} : memref<10000x128xf32, #tpu.memory_space<vmem>>, vector<10000x128xf32>,
    return
  }
  func.func @transform_0(%arg0: i32) -> (i32, i32, i32) {
    %c0_i32 = arith.constant 0 : i32
    %c0_i32_0 = arith.constant 0 : i32
    %c0_i32_1 = arith.constant 0 : i32
    return %c0_i32, %arg0, %c0_i32_0 : i32, i32, i32
  }
  func.func @transform_1(%arg0: i32) -> (i32, i32) {
    %c0_i32 = arith.constant 0 : i32
    %c0_i32_0 = arith.constant 0 : i32
    return %arg0, %c0_i32 : i32, i32
  }
  func.func @transform_2(%arg0: i32) -> (i32, i32) {
    %c0_i32 = arith.constant 0 : i32
    %c0_i32_0 = arith.constant 0 : i32
    return %arg0, %c0_i32 : i32, i32
  }
  func.func @transform_3(%arg0: i32) -> (i32, i32) {
    %c0_i32 = arith.constant 0 : i32
    %c0_i32_0 = arith.constant 0 : i32
    %c0_i32_1 = arith.constant 0 : i32
    return %c0_i32, %c0_i32_0 : i32, i32
  }
  func.func @transform_4(%arg0: i32) -> (i32, i32) {
    %c0_i32 = arith.constant 0 : i32
    %c0_i32_0 = arith.constant 0 : i32
    return %arg0, %c0_i32 : i32, i32
  }
}

module attributes {stable_mosaic.version = 14 : i64} {
  func.func @_fin_body(%arg0: i32, %arg1: memref<2x10000x128xf32, #tpu.memory_space<vmem>>, %arg2: memref<10000x128xf32, #tpu.memory_space<vmem>>, %arg3: memref<10000x1xf32, #tpu.memory_space<vmem>>, %arg4: memref<128x256xf32, #tpu.memory_space<vmem>>, %arg5: memref<1x256xf32, #tpu.memory_space<vmem>>, %arg6: memref<10000x256xf32, #tpu.memory_space<vmem>>) attributes {dimension_semantics = [#tpu.dimension_semantics<arbitrary>], iteration_bounds = array<i64: 1>, scalar_prefetch = 0 : i64, scratch_operands = 0 : i64, tpu.core_type = #tpu.core_type<tc>, window_params = [{transform_indices = @transform_0, window_bounds = array<i64: 2, 10000, 128>}, {transform_indices = @transform_1, window_bounds = array<i64: 10000, 128>}, {transform_indices = @transform_2, window_bounds = array<i64: 10000, 1>}, {pipeline_mode = #tpu.pipeline_mode<synchronous>, transform_indices = @transform_3, window_bounds = array<i64: 128, 256>}, {pipeline_mode = #tpu.pipeline_mode<synchronous>, transform_indices = @transform_4, window_bounds = array<i64: 1, 256>}, {transform_indices = @transform_5, window_bounds = array<i64: 10000, 256>}]} {
    %get3A = arith.constant 0 : index
    %get3A_0 = arith.constant 0 : index
    %get3A_1 = vector.load %arg3[%get3A, %get3A_0] : memref<10000x1xf32, #tpu.memory_space<vmem>>, vector<10000x1xf32>
    %get3A_2 = arith.constant 0 : index
    %get3A_3 = arith.constant 0 : index
    %get3A_4 = arith.constant 0 : index
    %get3A_5 = vector.load %arg1[%get3A_2, %get3A_3, %get3A_4] : memref<2x10000x128xf32, #tpu.memory_space<vmem>>, vector<1x10000x128xf32>
    %get3A_6 = vector.shape_cast %get3A_5 : vector<1x10000x128xf32> to vector<10000x128xf32>
    %get3A_7 = arith.constant 1 : index
    %get3A_8 = arith.constant 0 : index
    %get3A_9 = arith.constant 0 : index
    %get3A_10 = vector.load %arg1[%get3A_7, %get3A_8, %get3A_9] : memref<2x10000x128xf32, #tpu.memory_space<vmem>>, vector<1x10000x128xf32>
    %get3A_11 = vector.shape_cast %get3A_10 : vector<1x10000x128xf32> to vector<10000x128xf32>
    %add3A = arith.addf %get3A_6, %get3A_11 : vector<10000x128xf32>
    %get3A_12 = arith.constant 0 : index
    %get3A_13 = arith.constant 0 : index
    %get3A_14 = vector.load %arg2[%get3A_12, %get3A_13] : memref<10000x128xf32, #tpu.memory_space<vmem>>, vector<10000x128xf32>
    %add3A_15 = arith.addf %add3A, %get3A_14 : vector<10000x128xf32>
    %mul3A = vector.broadcast %get3A_1 : vector<10000x1xf32> to vector<10000x128xf32>
    %mul3A_16 = arith.mulf %mul3A, %add3A_15 : vector<10000x128xf32>
    %get3A_17 = arith.constant 0 : index
    %get3A_18 = arith.constant 0 : index
    %get3A_19 = vector.load %arg4[%get3A_17, %get3A_18] : memref<128x256xf32, #tpu.memory_space<vmem>>, vector<128x256xf32>
    %dot_general3A = arith.constant dense<0.000000e+00> : vector<10000x256xf32>
    %dot_general3A_20 = tpu.matmul %mul3A_16, %get3A_19, %dot_general3A {dimension_numbers = #tpu.dot_dimension_numbers<[1], [0], [0], [1], [0, 0, 1, 1], [], []>, transpose_lhs_hint = false} : vector<10000x128xf32>, vector<128x256xf32>, vector<10000x256xf32> -> vector<10000x256xf32>
    %get3A_21 = arith.constant 0 : index
    %get3A_22 = arith.constant 0 : index
    %get3A_23 = vector.load %arg5[%get3A_21, %get3A_22] : memref<1x256xf32, #tpu.memory_space<vmem>>, vector<1x256xf32>
    %add3A_24 = vector.broadcast %get3A_23 : vector<1x256xf32> to vector<10000x256xf32>
    %add3A_25 = arith.addf %dot_general3A_20, %add3A_24 : vector<10000x256xf32>
    %swap3A = arith.constant 0 : index
    %swap3A_26 = arith.constant 0 : index
    %swap3A_27 = vector.load %arg6[%swap3A, %swap3A_26] : memref<10000x256xf32, #tpu.memory_space<vmem>>, vector<10000x256xf32>
    tpu.vector_store %arg6[%swap3A, %swap3A_26], %add3A_25 {strides = array<i32>} : memref<10000x256xf32, #tpu.memory_space<vmem>>, vector<10000x256xf32>,
    return
  }
  func.func @transform_0(%arg0: i32) -> (i32, i32, i32) {
    %c0_i32 = arith.constant 0 : i32
    %c0_i32_0 = arith.constant 0 : i32
    %c0_i32_1 = arith.constant 0 : i32
    return %c0_i32, %arg0, %c0_i32_0 : i32, i32, i32
  }
  func.func @transform_1(%arg0: i32) -> (i32, i32) {
    %c0_i32 = arith.constant 0 : i32
    %c0_i32_0 = arith.constant 0 : i32
    return %arg0, %c0_i32 : i32, i32
  }
  func.func @transform_2(%arg0: i32) -> (i32, i32) {
    %c0_i32 = arith.constant 0 : i32
    %c0_i32_0 = arith.constant 0 : i32
    return %arg0, %c0_i32 : i32, i32
  }
  func.func @transform_3(%arg0: i32) -> (i32, i32) {
    %c0_i32 = arith.constant 0 : i32
    %c0_i32_0 = arith.constant 0 : i32
    %c0_i32_1 = arith.constant 0 : i32
    return %c0_i32, %c0_i32_0 : i32, i32
  }
  func.func @transform_4(%arg0: i32) -> (i32, i32) {
    %c0_i32 = arith.constant 0 : i32
    %c0_i32_0 = arith.constant 0 : i32
    %c0_i32_1 = arith.constant 0 : i32
    return %c0_i32, %c0_i32_0 : i32, i32
  }
  func.func @transform_5(%arg0: i32) -> (i32, i32) {
    %c0_i32 = arith.constant 0 : i32
    %c0_i32_0 = arith.constant 0 : i32
    return %arg0, %c0_i32 : i32, i32
  }
}

</mosaic_0001>

<sc_bundles>
// kernel: kernel.11.cloned.1.call-start
scs
__scs_entry_jumppad:
0x0: {  	(pc) =	sbr.rel $0x88, $3  }
0x1: {  	(tag) =	ssettag $0x0;
	lr =	simm.s32 $0x1  }
0x2: {  	[smem:$0x3F9B] =	sst lr;
	_ =	strace $0xD0000000  }
0x3: {  	_ = 	snop  }
0x4: {  	_ = 	snop  }
0x5: {  	_ = 	snop  }
0x6: {  	_ = 	snop  }
0x7: {  	_ = 	snop  }
__scs_overlays_trampoline_lowered:
0x8: {  	[smem:$0x3FAA] =	sst s0  }
0x9: {  	[smem:$0x3FAB] =	sst s1  }
0xa: {  	[smem:$0x3FAC] =	sst s2  }
0xb: {  	[smem:$0x3FAD] =	sst s3  }
0xc: {  	[smem:$0x3FAE] =	sst s4  }
0xd: {  	[smem:$0x3FAF] =	sst s5  }
0xe: {  	[smem:$0x3FB0] =	sst s6  }
0xf: {  	[smem:$0x3FB1] =	sst s7  }
0x10: {  	[smem:$0x3FB2] =	sst s8  }
0x11: {  	[smem:$0x3FB3] =	sst s9;
	s0 =	simm.s32 @!p0 $0x0  }
0x12: {  	s1 =	sld [smem:$0x3F99];
	s0 =	simm.s32 @p0 $0x1  }
0x13: {  	[smem:$0x3FB4] =	sst s0;
	s0 =	simm.s32 @!p1 $0x0  }
0x14: {  	s2 =	sld [smem:$0x3F98];
	s0 =	simm.s32 @p1 $0x1  }
0x15: {  	[smem:$0x3FB5] =	sst s0;
	s0 =	simm.s32 @!p2 $0x0  }
0x16: {  	s3 =	sld [smem:$0x3FDB];
	s0 =	simm.s32 @p2 $0x1  }
0x17: {  	s4 =	simm.s32 $0x1BF5;
	[smem:$0x3FB7] =	sst s0  }
0x18: {  	s0 =	sld [smem:$0x3F9A];
	_ =	swait.ge [sflag:s4], $0x0  }
0x19: {  	s7 =	sld [smem:$0x3F9B]  }
0x1a: {  	s8 =	sadd.s32 $0xFFFFE003, lr  }
0x1b: {  	s9 =	sadd.s32 $0xFFFFFEF7, lr;
	s5 =	simm.s32 $0xFFFFFFFF;
	p2 =	slt.u32 s8, $0xFFFFF086  }
0x1c: {  	p1 =	slt.u32 s9, $0xF7A;
	s5 =	simm.s32 @!p2 $0x0  }
0x1d: {  	s5 =	simm.s32 @p1 $0x1;
	p0 =	seq.s32 s7, s2  }
0x1e: {  	s7 =	smul.u32 @!p0 $0xF7A, s2;
	p2 =	seq.s32 @!p0 s5, $0x0  }
0x1f: {  	s9 =	smul.u32 $0xF7A, s1;
	s8 =	simm.s32 @!p0 $0x1BF5;
	p2 =	por !p2, p0  }
0x20: {  	[sflag:s8] =	ssyncset.s32 @!p0 $0xFFFFF086;
	s6 =	sadd.s32 @!p0 s3, s7;
	s7 =	simm.s32 @!p0 $0x108  }
0x21: {  	s3 =	sadd.s32 s3, s9;
	s6 =	sadd.s32 @!p0 $0x88, s6;
	s7 =	simm.s32 @p2 $0x1082  }
0x22: {  	[simem:s7], [sflag:s8] =	dma.local @!p0 [hbm:s6], $0xF7A  }
0x23: {  	s9 =	sor.u32 $0xD0000000, s2;
	s6 =	simm.s32 $0x108;
	_ =	swait.ge @!p0 [sflag:s8], $0x0  }
0x24: {  	s3 =	sadd.s32 $0x88, s3;
	s6 =	simm.s32 @!p1 $0x1082;
	[sflag:s4] =	ssyncset.s32 $0xFFFFF086  }
0x25: {  	[simem:s6], [sflag:s4] =	dma.local [hbm:s3], $0xF7A  }
0x26: {  	[smem:$0x3F9B] =	sst s1;
	(tag) =	ssettag s2;
	_ =	strace s9  }
0x27: {  	s1 =	sld [smem:$0x3FAB]  }
0x28: {  	s2 =	sld [smem:$0x3FAC]  }
0x29: {  	s4 =	sld [smem:$0x3FAE]  }
0x2a: {  	p0 =	seq.s32 s5, $0x0;
	s5 =	sld [smem:$0x3FAF]  }
0x2b: {  	s6 =	sld [smem:$0x3FB0]  }
0x2c: {  	s7 =	sld [smem:$0x3FB1]  }
0x2d: {  	s3 =	simm.s32 $0x108;
	s8 =	sld [smem:$0x3FB2]  }
0x2e: {  	s3 =	simm.s32 @!p0 $0x1082;
	s9 =	sld [smem:$0x3FB3]  }
0x2f: {  	lr =	sadd.s32 s0, s3;
	s0 =	sld [smem:$0x3FAA]  }
0x30: {  	s3 =	sld [smem:$0x3FAD]  }
0x31: {  	[smem:$0x3FB6] =	sst s10  }
0x32: {  	s10 =	sld [smem:$0x3FB4];
	_ =	sdelay $0x3  }
0x33: {  	p0 =	seq.s32 s10, $0x1;
	s10 =	sld [smem:$0x3FB6];
	_ =	sdelay $0x3  }
0x34: {  	[smem:$0x3FB6] =	sst s10  }
0x35: {  	s10 =	sld [smem:$0x3FB5];
	_ =	sdelay $0x3  }
0x36: {  	p1 =	seq.s32 s10, $0x1;
	s10 =	sld [smem:$0x3FB6];
	_ =	sdelay $0x3  }
0x37: {  	[smem:$0x3FB6] =	sst s10  }
0x38: {  	s10 =	sld [smem:$0x3FB7]  }
0x39: {  	_ = 	snop;
	(pc) =	sbr.ind lr, $3  }
0x3a: {  	_ = 	snop  }
0x3b: {  	_ = 	snop  }
0x3c: {  	p2 =	seq.s32 s10, $0x1;
	s10 =	sld [smem:$0x3FB6]  }
0x3d: {  	_ =	shalt  }
0x3e: {  	_ =	shalt  }
0x3f: {  	_ =	shalt  }
0x40: {  	_ =	shalt  }
0x41: {  	_ =	shalt  }
0x42: {  	_ =	shalt  }
0x43: {  	_ =	shalt  }
0x44: {  	_ =	shalt  }
0x45: {  	_ =	shalt  }
0x46: {  	_ =	shalt  }
0x47: {  	_ =	shalt  }
0x48: {  	_ =	shalt  }
0x49: {  	_ =	shalt  }
0x4a: {  	_ =	shalt  }
0x4b: {  	_ =	shalt  }
0x4c: {  	_ =	shalt  }
0x4d: {  	_ =	shalt  }
0x4e: {  	_ =	shalt  }
0x4f: {  	_ =	shalt  }
0x50: {  	_ =	shalt  }
0x51: {  	_ =	shalt  }
0x52: {  	_ =	shalt  }
0x53: {  	_ =	shalt  }
0x54: {  	_ =	shalt  }
0x55: {  	_ =	shalt  }
0x56: {  	_ =	shalt  }
0x57: {  	_ =	shalt  }
0x58: {  	_ =	shalt  }
0x59: {  	_ =	shalt  }
0x5a: {  	_ =	shalt  }
0x5b: {  	_ =	shalt  }
0x5c: {  	_ =	shalt  }
0x5d: {  	_ =	shalt  }
0x5e: {  	_ =	shalt  }
0x5f: {  	_ =	shalt  }
0x60: {  	_ =	shalt  }
0x61: {  	_ =	shalt  }
0x62: {  	_ =	shalt  }
0x63: {  	_ =	shalt  }
0x64: {  	_ =	shalt  }
0x65: {  	_ =	shalt  }
0x66: {  	_ =	shalt  }
0x67: {  	_ =	shalt  }
0x68: {  	_ =	shalt  }
0x69: {  	_ =	shalt  }
0x6a: {  	_ =	shalt  }
0x6b: {  	_ =	shalt  }
0x6c: {  	_ =	shalt  }
0x6d: {  	_ =	shalt  }
0x6e: {  	_ =	shalt  }
0x6f: {  	_ =	shalt  }
0x70: {  	_ =	shalt  }
0x71: {  	_ =	shalt  }
0x72: {  	_ =	shalt  }
0x73: {  	_ =	shalt  }
0x74: {  	_ =	shalt  }
0x75: {  	_ =	shalt  }
0x76: {  	_ =	shalt  }
0x77: {  	_ =	shalt  }
0x78: {  	_ =	shalt  }
0x79: {  	_ =	shalt  }
0x7a: {  	_ =	shalt  }
0x7b: {  	_ =	shalt  }
0x7c: {  	_ =	shalt  }
0x7d: {  	_ =	shalt  }
0x7e: {  	_ =	shalt  }
0x7f: {  	_ =	shalt  }
0x80: {  	_ =	shalt  }
0x81: {  	_ =	shalt  }
0x82: {  	_ =	shalt  }
0x83: {  	_ =	shalt  }
0x84: {  	_ =	shalt  }
0x85: {  	_ =	shalt  }
0x86: {  	_ =	shalt  }
0x87: {  	_ =	shalt  }
.Lfunc_end0:
.L_simem_size_0:
called_computation.1_lowered:
.L_overlay_start_0:
0x88: {  	s2 =	sld [smem:$0x3FD9]  }
0x89: {  	s3 =	sld [smem:$0x3FFE];
	_ =	sdelay $0x1  }
0x8a: {  	s1 =	srdreg.scid  }
0x8b: {  	s0 =	sand.u32 $0x1, s1  }
0x8c: {  	s17 =	sshll.u32 s0, $0xA;
	s2 =	sadd.s32 s3, s2  }
0x8d: {  	s2 =	sadd.s32 s2, s17  }
0x8e: {  	[smem:$0x3FC2] =	sst s2  }
0x8f: {  	_ = 	snop  }
0x90: {  	s2 =	sld [smem:$0x3FD0];
	(tm) =	ssettm $0x1  }
0x91: {  	s18 =	sld [smem:$0x3FFB];
	_ =	sdelay $0x3  }
0x92: {  	_ =	strace s18  }
0x93: {  	s3 =	sld [smem:$0x3FFC];
	_ =	sdelay $0x3  }
0x94: {  	_ =	strace s3  }
0x95: {  	s3 =	sld [smem:$0x3FFD];
	_ =	sdelay $0x3  }
0x96: {  	_ =	strace s3  }
0x97: {  	_ =	strace $0x8FFFFFFF  }
0x98: {  	s19 =	sld [smem:$0x3FDB];
	_ =	sdelay $0x1  }
0x99: {  	s4 =	simm.s32 $_scs_section_size  }
0x9a: {  	s5 =	simm.s32 $_size__tile_overlayer_lowered;
	s6 =	simm.s32 $_tile_overlayer_lowered  }
0x9b: {  	s22 =	simm.s32 $0x1BFF;
	s21 =	sshll.u32 s6, $0x1;
	s3 =	sadd.s32 s4, s19  }
0x9c: {  	s7 =	simm.s32 $0x0;
	s20 =	sshll.u32 s5, $0x1;
	s5 =	sadd.s32 s21, s3  }
0x9d: {  	[timem:s7], [sflag:s22] =	dma.local [hbm:s5], s20  }
0x9e: {  	_ =	swait.ge [sflag:s22], s20  }
0x9f: {  	s4 =	ssub.s32 $0x0, s20;
	[sflag:s22] =	ssyncset.done $0x0  }
0xa0: {  	[sflag:s22] =	ssyncadd.s32 s4;
	_ =	sdelay $0x1  }
0xa1: {  	s23 =	simm.s32 $0x1B8B  }
0xa2: {  	_ =	swait.ge [sflag:s23], $0x1  }
0xa3: {  	[sflag:s23] =	ssyncset.done $0x0  }
0xa4: {  	s25 =	simm.s32 $0x1B8E;
	s24 =	sld [smem:$0x3FFE];
	[sflag:s23] =	ssyncadd.s32 $0xFFFFFFFF  }
0xa5: {  	s26 =	simm.s32 $execute0_lowered;
	[smem:$0x3FD2] =	sst s25  }
0xa6: {  	s5 =	sshll.u32 s26, $0x1;
	_ =	strace $0x80000049;
	[dreg:$0x1] =	wrdreg $0xFFFFFFFF  }
0xa7: {  	s28 =	simm.s32 $_size_execute0_lowered;
	s3 =	sadd.s32 s3, s5;
	[dreg:$0x0] =	wrdreg $0x0  }
0xa8: {  	s5 =	sshll.u32 s28, $0x1;
	[dreg:$0x2] =	wrdreg s3  }
0xa9: {  	[dreg:$0x3] =	wrdreg s5  }
0xaa: {  	[dreg:$0x4] =	wrdreg $0xC0  }
0xab: {  	_ =	task [dreg:s7], $0x5FFFF  }
0xac: {  	[dreg:$0x1] =	wrdreg $0xFFFFFFFF  }
0xad: {  	[dreg:$0x0] =	wrdreg $0x60  }
0xae: {  	[dreg:$0x2] =	wrdreg s2  }
0xaf: {  	[dreg:$0x3] =	wrdreg s24  }
0xb0: {  	[dreg:$0x4] =	wrdreg $0xB0000  }
0xb1: {  	[dreg:$0x5] =	wrdreg $0x9  }
0xb2: {  	_ =	task.clear_ibuf [dreg:s7], $0x6FFFF;
	_ =	strace $0x90000049  }
0xb3: {  	s29 =	simm.s32 $0x9;
	_ =	strace $0x8000004B  }
0xb4: {  	_ =	swait.ge [sflag:s29], $0x1  }
0xb5: {  	[sflag:s29] =	ssyncadd.s32 $0xFFFFFFFF  }
0xb6: {  	_ =	strace $0x9000004B  }
0xb7: {  	_ =	sfence  }
0xb8: {  	s30 =	sld [smem:$0x0];
	_ =	sdelay $0x2  }
0xb9: {  	s31 =	sshll.u32 s1, $0xD;
	s1 =	sshrl.u32 s1, $0x2  }
0xba: {  	s3 =	sand.u32 $0x4000, s31;
	s1 =	sadd.s32 s1, s30  }
0xbb: {  	s0 =	sor.u32 s3, s0;
	s1 =	sshll.u32 s1, $0x11  }
0xbc: {  	s0 =	sor.u32 s1, s0  }
0xbd: {  	s0 =	sadd.s32 $0x8F2B, s0  }
0xbe: {  	[sflag:s0] =	ssyncadd.remote.s32 $0x1  }
0xbf: {  	_ =	sfence.sel $0xFFFF  }
0xc0: {  	[dreg:$0x0] =	wrdreg $0xFFFFFFFF;
	(pc) =	sbr.abs _section_cstart, $3  }
0xc1: {  	[dreg:$0x1] =	wrdreg $0xFFFFFFFF  }
0xc2: {  	_ =	task.clear_ibuf [dreg:s7], $0x2FFFF;
	_ =	strace $0x9FFFFFFF  }
0xc3: {  	(tm) =	ssettm $0x7FFFFFFF  }
tec
execute0_lowered:
.L_overlay_start_1:
0x0: {  	(tag) =	ssettag $0x1  }
0x1: {  	s1 =	rddreg [dreg:$0x0]  }
0x2: {  	s0 =	rddreg [dreg:$0x1]  }
0x3: {  	s3 =	rddreg [dreg:$0x2];
	s2 =	srdreg.scid  }
0x4: {  	s8 =	stileid.u32;
	s4 =	simm.s32 $0x0;
	s19 =	simm.s32 $0x5000  }
0x5: {  	s20 =	simm.s32 $0x40;
	s23 =	simm.s32 $0x1;
	s24 =	simm.s32 $0x2  }
0x6: {  	s25 =	simm.s32 $0x0;
	s2 =	sand.u32 $0x1, s2;
	s7 =	smul.u32 $0x14000, s8  }
0x7: {  	s5 =	sshll.u32 s8, $0x1;
	[smem:$0x7FF] =	sst s4;
	s26 =	smul.u32 $0x50000, s8  }
0x8: {  	s6 =	smul.u32 $0x140000, s2;
	s5 =	sor.u32 s2, s5;
	s2 =	ssub.s32 $0x2, s2  }
0x9: {  	_ =	strace $0x8000004A;
	s5 =	smul.u32 $0x500, s5;
	s30 =	sshrl.u32 s2, $0x1  }
0xa: {  	s6 =	sadd.s32 s7, s6;
	s2 =	ssub.s32 s2, s30;
	s7 =	sshrl.u32 s26, $0x2  }
0xb: {  	s28 =	sadd.s32 s5, s0;
	s29 =	sshrl.u32 s6, $0x3;
	s7 =	sadd.s32 s7, s3  }
0xc: {  	s9 =	smax.u32 s2, $0x1;
	s0 =	sadd.s32 s29, s0;
	s31 =	sadd.s32 $0xD000, s28  }
0xd: {  	s6 =	sadd.s32 $0x3000, s28;
	s10 =	sadd.s32 $0x2000, s7;
	s11 =	sadd.s32 $0x4000, s7  }
0xe: {  	s12 =	sadd.s32 $0x6000, s7;
	s13 =	sadd.s32 $0x8000, s7;
	s14 =	sadd.s32 $0xA000, s7  }
0xf: {  	s15 =	sadd.s32 $0xC000, s7;
	s16 =	sadd.s32 $0xE000, s7;
	s17 =	sadd.s32 $0x10000, s7  }
0x10: {  	v0 =	vimm.f32 $0.0e+00;
	s18 =	sadd.s32 $0x12000, s7;
	[dreg:$0x4] =	wrdreg s31;
	s8 =	sadd.s32 $0x17000, s0  }
.LBB2_1:
0x11: {  	s26 =	simm.s32 $0x0;
	s28 =	simm.s32 $0x200  }
.LBB2_2:
0x12: {  	p0 =	sne.s32 s28, $0x7E00;
	[tilespmem:s26+$0x5070] =	vst v0  }
0x13: {  	[tilespmem:s26+$0x5000] =	vst v0  }
0x14: {  	[tilespmem:s26+$0x5010] =	vst v0  }
.Ltmp0:
0x15: {  	[tilespmem:s26+$0x5020] =	vst v0;
	(pc) =	sbr.rel @p0 .LBB2_2-.Ltmp0, $4  }
0x16: {  	[tilespmem:s26+$0x5030] =	vst v0  }
0x17: {  	[tilespmem:s26+$0x5040] =	vst v0  }
0x18: {  	[tilespmem:s26+$0x5050] =	vst v0  }
0x19: {  	[tilespmem:s26+$0x5060] =	vst v0;
	s26 =	sshra.s32 s28, $0x2;
	s28 =	sadd.s32 $0x200, s28  }
0x1a: {  	[tilespmem:s26+$0x5070] =	vst v0  }
0x1b: {  	[tilespmem:s26+$0x5000] =	vst v0  }
0x1c: {  	[tilespmem:s26+$0x5010] =	vst v0  }
0x1d: {  	[tilespmem:s26+$0x5020] =	vst v0  }
0x1e: {  	[tilespmem:s26+$0x5030] =	vst v0  }
0x1f: {  	[tilespmem:s26+$0x5040] =	vst v0  }
0x20: {  	[tilespmem:s26+$0x5050] =	vst v0  }
0x21: {  	[tilespmem:s26+$0x5060] =	vst v0;
	s0 =	rddreg [dreg:$0x4]  }
0x22: {  	[tilespmem:s4], [sflag:$0x2] =	stream.linear.gather [hbm4b:s0+s4], $0x2800, $0x38;
	[tilespmem:$0x1F000] =	vst v63  }
0x23: {  	s0 =	simm.s32 $0x2  }
0x24: {  	_ =	swait.ge [sflag:s0], $0x2800  }
0x25: {  	[sflag:s0] =	ssyncset.done $0x0  }
0x26: {  	s26 =	simm.s32 $0x2800;
	[sflag:s0] =	ssyncadd.s32 $0xFFFFD800  }
0x27: {  	[tilespmem:s26], [sflag:$0x2] =	stream.linear.gather [hbm4b:s6+s4], $0x2800, $0x38;
	[tilespmem:$0x1F000] =	vst v63  }
0x28: {  	_ =	swait.ge [sflag:s0], $0x2800  }
0x29: {  	[sflag:s0] =	ssyncset.done $0x0  }
0x2a: {  	[sflag:s0] =	ssyncadd.s32 $0xFFFFD800  }
0x2b: {  	[spmem:s7] =	stream.linear.scatter [tilespmem:s19], [sflag:$0x2], $0x2000, $0x38;
	[tilespmem:$0x1F000] =	vst v63  }
0x2c: {  	_ =	swait.ge [sflag:s0], $0x2000  }
0x2d: {  	[sflag:s0] =	ssyncset.done $0x0  }
0x2e: {  	[sflag:s0] =	ssyncadd.s32 $0xFFFFE000  }
0x2f: {  	[spmem:s10] =	stream.linear.scatter [tilespmem:s19], [sflag:$0x2], $0x2000, $0x38;
	[tilespmem:$0x1F000] =	vst v63  }
0x30: {  	_ =	swait.ge [sflag:s0], $0x2000  }
0x31: {  	[sflag:s0] =	ssyncset.done $0x0  }
0x32: {  	[sflag:s0] =	ssyncadd.s32 $0xFFFFE000  }
0x33: {  	[spmem:s11] =	stream.linear.scatter [tilespmem:s19], [sflag:$0x2], $0x2000, $0x38;
	[tilespmem:$0x1F000] =	vst v63  }
0x34: {  	_ =	swait.ge [sflag:s0], $0x2000  }
0x35: {  	[sflag:s0] =	ssyncset.done $0x0  }
0x36: {  	[sflag:s0] =	ssyncadd.s32 $0xFFFFE000  }
0x37: {  	[spmem:s12] =	stream.linear.scatter [tilespmem:s19], [sflag:$0x2], $0x2000, $0x38;
	[tilespmem:$0x1F000] =	vst v63  }
0x38: {  	_ =	swait.ge [sflag:s0], $0x2000  }
0x39: {  	[sflag:s0] =	ssyncset.done $0x0  }
0x3a: {  	[sflag:s0] =	ssyncadd.s32 $0xFFFFE000  }
0x3b: {  	[spmem:s13] =	stream.linear.scatter [tilespmem:s19], [sflag:$0x2], $0x2000, $0x38;
	[tilespmem:$0x1F000] =	vst v63  }
0x3c: {  	_ =	swait.ge [sflag:s0], $0x2000  }
0x3d: {  	[sflag:s0] =	ssyncset.done $0x0  }
0x3e: {  	[sflag:s0] =	ssyncadd.s32 $0xFFFFE000  }
0x3f: {  	[spmem:s14] =	stream.linear.scatter [tilespmem:s19], [sflag:$0x2], $0x2000, $0x38;
	[tilespmem:$0x1F000] =	vst v63  }
0x40: {  	_ =	swait.ge [sflag:s0], $0x2000  }
0x41: {  	[sflag:s0] =	ssyncset.done $0x0  }
0x42: {  	[sflag:s0] =	ssyncadd.s32 $0xFFFFE000  }
0x43: {  	[spmem:s15] =	stream.linear.scatter [tilespmem:s19], [sflag:$0x2], $0x2000, $0x38;
	[tilespmem:$0x1F000] =	vst v63  }
0x44: {  	_ =	swait.ge [sflag:s0], $0x2000  }
0x45: {  	[sflag:s0] =	ssyncset.done $0x0  }
0x46: {  	[sflag:s0] =	ssyncadd.s32 $0xFFFFE000  }
0x47: {  	[spmem:s16] =	stream.linear.scatter [tilespmem:s19], [sflag:$0x2], $0x2000, $0x38;
	[tilespmem:$0x1F000] =	vst v63  }
0x48: {  	_ =	swait.ge [sflag:s0], $0x2000  }
0x49: {  	[sflag:s0] =	ssyncset.done $0x0  }
0x4a: {  	[sflag:s0] =	ssyncadd.s32 $0xFFFFE000  }
0x4b: {  	[spmem:s17] =	stream.linear.scatter [tilespmem:s19], [sflag:$0x2], $0x2000, $0x38;
	[tilespmem:$0x1F000] =	vst v63  }
0x4c: {  	_ =	swait.ge [sflag:s0], $0x2000  }
0x4d: {  	[sflag:s0] =	ssyncset.done $0x0  }
0x4e: {  	[sflag:s0] =	ssyncadd.s32 $0xFFFFE000  }
0x4f: {  	[spmem:s18] =	stream.linear.scatter [tilespmem:s19], [sflag:$0x2], $0x2000, $0x38;
	[tilespmem:$0x1F000] =	vst v63  }
0x50: {  	_ =	swait.ge [sflag:s0], $0x2000  }
0x51: {  	[sflag:s0] =	ssyncset.done $0x0  }
0x52: {  	p0 =	por $0x0, $0x0;
	[sflag:s0] =	ssyncadd.s32 $0xFFFFE000  }
0x53: {  	s2 =	simm.s32 $0x80;
	s0 =	smul.u32 @!p0 $0xAB, s0;
	[bflag:$0x0] =	sbarrier.arrive $0xFFFF  }
0x54: {  	[tilespmem:s19], [sflag:$0x1] =	stream.indirect.gather [hbm4b:s1+s20], $0x80, s4, s20, $0xb8;
	[tilespmem:$0x1F000] =	vst v63  }
0x55: {  	s5 =	simm.s32 $0x7000;
	s21 =	simm.s32 $0x0;
	s0 =	sshrl.u32 @!p0 s0, $0x9  }
0x56: {  	[tilespmem:s5], [sflag:$0x1] =	stream.indirect.gather [hbm4b:s1+s20], $0x80, s2, s20, $0xb8;
	[tilespmem:$0x1F000] =	vst v63  }
0x57: {  	s0 =	sand.u32 @!p0 $0x7F, s0;
	s2 =	smul.u32 $0xAB, s21  }
0x58: {  	s0 =	smul.u32 @!p0 $0x3, s0  }
0x59: {  	s2 =	sshrl.u32 s2, $0x9  }
0x5a: {  	s28 =	simm.s32 $0x100;
	s0 =	ssub.s32 @!p0 $0x2, s0;
	s2 =	sand.u32 $0x7F, s2  }
0x5b: {  	_ =	swait.ge [sflag:s23], $0x2000;
	s0 =	sand.u32 @!p0 $0xFF, s0;
	s2 =	smul.u32 $0x3, s2  }
0x5c: {  	s29 =	simm.s32 @!p0 $0x40;
	[sflag:s23] =	ssyncset.done $0x0;
	s0 =	sshll.u32 @!p0 s0, $0xD  }
0x5d: {  	[sflag:s23] =	ssyncadd.s32 $0xFFFFE000;
	s0 =	sadd.s32 @!p0 $0x5000, s0;
	s2 =	ssub.s32 $0x0, s2  }
0x5e: {  	[tilespmem:s0], [sflag:$0x1] =	stream.indirect.gather @!p0 [hbm4b:s1+s29], $0x80, s28, s29, $0xb8;
	[tilespmem:$0x1F000] =	vst v63  }
0x5f: {  	s30 =	simm.s32 $0x1;
	s29 =	simm.s32 $0x3;
	s2 =	sand.u32 $0xFF, s2  }
0x60: {  	s0 =	smul.u32 $0xAB, s30;
	p0 =	por $0x0, $0x0;
	s2 =	sshll.u32 s2, $0xD  }
0x61: {  	s22 =	sadd.s32 $0x5000, s2;
	s2 =	smul.u32 @!p0 $0xAB, s29  }
0x62: {  	[spmem:s3] =	stream.indirect.scatter.add.f32 [tilespmem:s22], [sflag:$0x2], $0x80, s26, s20, $0xb8;
	[tilespmem:$0x1F000] =	vst v63  }
0x63: {  	s31 =	simm.s32 $0x4;
	s28 =	simm.s32 $0x180;
	s26 =	simm.s32 $0x2880  }
.LBB2_4:
0x64: {  	s0 =	sshrl.u32 s0, $0x9;
	s2 =	sshrl.u32 @!p0 s2, $0x9  }
0x65: {  	_ =	swait.ge [sflag:s24], $0x2000;
	s21 =	smov.u32 s31;
	s22 =	smov.u32 s26  }
0x66: {  	s0 =	sand.u32 $0x7F, s0;
	s2 =	sand.u32 @!p0 $0x7F, s2;
	[sflag:s24] =	ssyncset.done $0x0  }
0x67: {  	s31 =	sadd.s32 $0x1, s31;
	s2 =	smul.u32 @!p0 $0x3, s2;
	[sflag:s24] =	ssyncadd.s32 $0xFFFFE000  }
0x68: {  	p1 =	sne.s32 s31, $0x52;
	s0 =	smul.u32 $0x3, s0  }
0x69: {  	s5 =	simm.s32 @!p0 $0x40;
	s2 =	ssub.s32 @!p0 s29, s2;
	s29 =	smov.u32 s21  }
0x6a: {  	s0 =	ssub.s32 s30, s0;
	_ =	swait.ge [sflag:s23], $0x2000;
	s2 =	sand.u32 @!p0 $0xFF, s2  }
0x6b: {  	s0 =	sand.u32 $0xFF, s0;
	[sflag:s23] =	ssyncset.done $0x0;
	s2 =	sshll.u32 @!p0 s2, $0xD  }
0x6c: {  	s21 =	sshll.u32 s0, $0xD;
	[sflag:s23] =	ssyncadd.s32 $0xFFFFE000;
	s0 =	sadd.s32 @!p0 $0x5000, s2  }
0x6d: {  	[tilespmem:s0], [sflag:$0x1] =	stream.indirect.gather @!p0 [hbm4b:s1+s5], $0x80, s28, s5, $0xb8;
	[tilespmem:$0x1F000] =	vst v63  }
.Ltmp1:
0x6e: {  	_ = 	snop;
	(pc) =	sbr.rel @p1 .LBB2_4-.Ltmp1, $4  }
0x6f: {  	s30 =	sadd.s32 $0xFFFFFFFE, s29  }
0x70: {  	s0 =	smul.u32 $0xAB, s30;
	p0 =	sgt.u32 s30, $0x4D;
	s5 =	sadd.s32 $0x5000, s21  }
0x71: {  	s26 =	sadd.s32 $0x80, s26;
	s28 =	sadd.s32 $0x80, s28;
	s2 =	smul.u32 @!p0 $0xAB, s29  }
0x72: {  	[spmem:s3] =	stream.indirect.scatter.add.f32 [tilespmem:s5], [sflag:$0x2], $0x80, s22, s20, $0xb8;
	[tilespmem:$0x1F000] =	vst v63  }
0x73: {  	s2 =	sshrl.u32 @!p0 s2, $0x9  }
0x74: {  	s0 =	sshrl.u32 s0, $0x9;
	s2 =	sand.u32 @!p0 $0x7F, s2  }
0x75: {  	_ =	swait.ge [sflag:s24], $0x2000;
	s0 =	sand.u32 $0x7F, s0;
	s2 =	smul.u32 @!p0 $0x3, s2  }
0x76: {  	[sflag:s24] =	ssyncset.done $0x0;
	s0 =	smul.u32 $0x3, s0  }
0x77: {  	s5 =	simm.s32 @!p0 $0x40;
	[sflag:s24] =	ssyncadd.s32 $0xFFFFE000;
	s2 =	ssub.s32 @!p0 s29, s2  }
0x78: {  	_ =	swait.ge [sflag:s23], $0x2000;
	s0 =	ssub.s32 s30, s0;
	s2 =	sand.u32 @!p0 $0xFF, s2  }
0x79: {  	[sflag:s23] =	ssyncset.done $0x0;
	s0 =	sand.u32 $0xFF, s0;
	s2 =	sshll.u32 @!p0 s2, $0xD  }
0x7a: {  	[sflag:s23] =	ssyncadd.s32 $0xFFFFE000;
	s0 =	sshll.u32 s0, $0xD;
	s2 =	sadd.s32 @!p0 $0x5000, s2  }
0x7b: {  	[tilespmem:s2], [sflag:$0x1] =	stream.indirect.gather @!p0 [hbm4b:s1+s5], $0x80, s28, s5, $0xb8;
	[tilespmem:$0x1F000] =	vst v63  }
0x7c: {  	s0 =	sadd.s32 $0x5000, s0  }
0x7d: {  	[spmem:s3] =	stream.indirect.scatter.add.f32 [tilespmem:s0], [sflag:$0x2], $0x80, s26, s20, $0xb8;
	[tilespmem:$0x1F000] =	vst v63  }
0x7e: {  	s31 =	sshrl.u32 s7, $0x3;
	_ =	swait.ge [sflag:s24], $0x2000  }
0x7f: {  	s25 =	sadd.s32 $0x1, s25;
	s30 =	stileid.u32;
	[sflag:s24] =	ssyncset.done $0x0  }
0x80: {  	p0 =	sne.s32 s25, s9;
	s0 =	sshll.u32 s30, $0x6;
	[sflag:s24] =	ssyncadd.s32 $0xFFFFE000  }
.Ltmp2:
0x81: {  	s0 =	sor.u32 $0x1C02, s0;
	[bflag:$0x0] =	sbarrier.arrive $0xFFFF;
	(pc) =	sbr.rel @p0 .LBB2_1-.Ltmp2, $4  }
0x82: {  	[hbm:s8], [sflag:s0] =	dma.local [spmem:s31], $0x2800  }
0x83: {  	_ =	swait.ge [sflag:s24], $0x2800  }
0x84: {  	[sflag:s24] =	ssyncset.done $0x0  }
0x85: {  	[sflag:s24] =	ssyncadd.s32 $0xFFFFD800  }
0x86: {  	_ =	sfence.sel $0x180000  }
0x87: {  	[bflag:$0x0] =	sbarrier.arrive $0xFFFF  }
0x88: {  	_ =	strace $0x9000004A  }
0x89: {  	s0 =	stileid.u32;
	[bflag:$0x2] =	sbarrier.arrive $0xFFFF  }
0x8a: {  	p0 =	sne.s32 s0, $0x0;
	s0 =	rddreg [dreg:$0x3]  }
0x8b: {  	s0 =	sadd.s32 @!p0 $0x100000, s0  }
0x8c: {  	[sflag:s0] =	ssyncadd.tile.s32 @!p0 $0x1;
	_ =	shalt  }
.Lfunc_end2:
_tile_overlayer_lowered:
.L_overlay_start_2:
0x8d: {  	(tag) =	ssettag $0x2  }
0x8e: {  	s0 =	rddreg [dreg:$0x0];
	s2 =	stileid.u32  }
0x8f: {  	s1 =	rddreg [dreg:$0x1];
	p0 =	sne.s32 s2, $0x0  }
0x90: {  	s3 =	rddreg [dreg:$0x2];
	[bflag:$0x3] =	sbarrier.arrive $0xFFFF;
	s2 =	simm.s32 @!p0 $0x1C02  }
0x91: {  	[timem:s3], [sflag:s2] =	dma.local @!p0 [hbm:s0], s1  }
0x92: {  	s0 =	simm.s32 @!p0 $0x2  }
0x93: {  	_ =	swait.ge @!p0 [sflag:s0], s1  }
0x94: {  	s1 =	ssub.s32 @!p0 $0x0, s1;
	[sflag:s0] =	ssyncset.done @!p0 $0x0  }
0x95: {  	[sflag:s0] =	ssyncadd.s32 @!p0 s1  }
0x96: {  	[bflag:$0x3] =	sbarrier.arrive $0xFFFF  }
0x97: {  	_ =	shalt  }

// kernel: kernel.14.cloned.1.call-start
scs
__scs_entry_jumppad:
0x0: {  	(pc) =	sbr.rel $0x88, $3  }
0x1: {  	(tag) =	ssettag $0x0;
	lr =	simm.s32 $0x1  }
0x2: {  	[smem:$0x3F9B] =	sst lr;
	_ =	strace $0xD0000000  }
0x3: {  	_ = 	snop  }
0x4: {  	_ = 	snop  }
0x5: {  	_ = 	snop  }
0x6: {  	_ = 	snop  }
0x7: {  	_ = 	snop  }
__scs_overlays_trampoline_lowered:
0x8: {  	[smem:$0x3FAA] =	sst s0  }
0x9: {  	[smem:$0x3FAB] =	sst s1  }
0xa: {  	[smem:$0x3FAC] =	sst s2  }
0xb: {  	[smem:$0x3FAD] =	sst s3  }
0xc: {  	[smem:$0x3FAE] =	sst s4  }
0xd: {  	[smem:$0x3FAF] =	sst s5  }
0xe: {  	[smem:$0x3FB0] =	sst s6  }
0xf: {  	[smem:$0x3FB1] =	sst s7  }
0x10: {  	[smem:$0x3FB2] =	sst s8  }
0x11: {  	[smem:$0x3FB3] =	sst s9;
	s0 =	simm.s32 @!p0 $0x0  }
0x12: {  	s1 =	sld [smem:$0x3F99];
	s0 =	simm.s32 @p0 $0x1  }
0x13: {  	[smem:$0x3FB4] =	sst s0;
	s0 =	simm.s32 @!p1 $0x0  }
0x14: {  	s2 =	sld [smem:$0x3F98];
	s0 =	simm.s32 @p1 $0x1  }
0x15: {  	[smem:$0x3FB5] =	sst s0;
	s0 =	simm.s32 @!p2 $0x0  }
0x16: {  	s3 =	sld [smem:$0x3FDB];
	s0 =	simm.s32 @p2 $0x1  }
0x17: {  	s4 =	simm.s32 $0x1BF5;
	[smem:$0x3FB7] =	sst s0  }
0x18: {  	s0 =	sld [smem:$0x3F9A];
	_ =	swait.ge [sflag:s4], $0x0  }
0x19: {  	s7 =	sld [smem:$0x3F9B]  }
0x1a: {  	s8 =	sadd.s32 $0xFFFFE003, lr  }
0x1b: {  	s9 =	sadd.s32 $0xFFFFFEF7, lr;
	s5 =	simm.s32 $0xFFFFFFFF;
	p2 =	slt.u32 s8, $0xFFFFF086  }
0x1c: {  	p1 =	slt.u32 s9, $0xF7A;
	s5 =	simm.s32 @!p2 $0x0  }
0x1d: {  	s5 =	simm.s32 @p1 $0x1;
	p0 =	seq.s32 s7, s2  }
0x1e: {  	s7 =	smul.u32 @!p0 $0xF7A, s2;
	p2 =	seq.s32 @!p0 s5, $0x0  }
0x1f: {  	s9 =	smul.u32 $0xF7A, s1;
	s8 =	simm.s32 @!p0 $0x1BF5;
	p2 =	por !p2, p0  }
0x20: {  	[sflag:s8] =	ssyncset.s32 @!p0 $0xFFFFF086;
	s6 =	sadd.s32 @!p0 s3, s7;
	s7 =	simm.s32 @!p0 $0x108  }
0x21: {  	s3 =	sadd.s32 s3, s9;
	s6 =	sadd.s32 @!p0 $0x88, s6;
	s7 =	simm.s32 @p2 $0x1082  }
0x22: {  	[simem:s7], [sflag:s8] =	dma.local @!p0 [hbm:s6], $0xF7A  }
0x23: {  	s9 =	sor.u32 $0xD0000000, s2;
	s6 =	simm.s32 $0x108;
	_ =	swait.ge @!p0 [sflag:s8], $0x0  }
0x24: {  	s3 =	sadd.s32 $0x88, s3;
	s6 =	simm.s32 @!p1 $0x1082;
	[sflag:s4] =	ssyncset.s32 $0xFFFFF086  }
0x25: {  	[simem:s6], [sflag:s4] =	dma.local [hbm:s3], $0xF7A  }
0x26: {  	[smem:$0x3F9B] =	sst s1;
	(tag) =	ssettag s2;
	_ =	strace s9  }
0x27: {  	s1 =	sld [smem:$0x3FAB]  }
0x28: {  	s2 =	sld [smem:$0x3FAC]  }
0x29: {  	s4 =	sld [smem:$0x3FAE]  }
0x2a: {  	p0 =	seq.s32 s5, $0x0;
	s5 =	sld [smem:$0x3FAF]  }
0x2b: {  	s6 =	sld [smem:$0x3FB0]  }
0x2c: {  	s7 =	sld [smem:$0x3FB1]  }
0x2d: {  	s3 =	simm.s32 $0x108;
	s8 =	sld [smem:$0x3FB2]  }
0x2e: {  	s3 =	simm.s32 @!p0 $0x1082;
	s9 =	sld [smem:$0x3FB3]  }
0x2f: {  	lr =	sadd.s32 s0, s3;
	s0 =	sld [smem:$0x3FAA]  }
0x30: {  	s3 =	sld [smem:$0x3FAD]  }
0x31: {  	[smem:$0x3FB6] =	sst s10  }
0x32: {  	s10 =	sld [smem:$0x3FB4];
	_ =	sdelay $0x3  }
0x33: {  	p0 =	seq.s32 s10, $0x1;
	s10 =	sld [smem:$0x3FB6];
	_ =	sdelay $0x3  }
0x34: {  	[smem:$0x3FB6] =	sst s10  }
0x35: {  	s10 =	sld [smem:$0x3FB5];
	_ =	sdelay $0x3  }
0x36: {  	p1 =	seq.s32 s10, $0x1;
	s10 =	sld [smem:$0x3FB6];
	_ =	sdelay $0x3  }
0x37: {  	[smem:$0x3FB6] =	sst s10  }
0x38: {  	s10 =	sld [smem:$0x3FB7]  }
0x39: {  	_ = 	snop;
	(pc) =	sbr.ind lr, $3  }
0x3a: {  	_ = 	snop  }
0x3b: {  	_ = 	snop  }
0x3c: {  	p2 =	seq.s32 s10, $0x1;
	s10 =	sld [smem:$0x3FB6]  }
0x3d: {  	_ =	shalt  }
0x3e: {  	_ =	shalt  }
0x3f: {  	_ =	shalt  }
0x40: {  	_ =	shalt  }
0x41: {  	_ =	shalt  }
0x42: {  	_ =	shalt  }
0x43: {  	_ =	shalt  }
0x44: {  	_ =	shalt  }
0x45: {  	_ =	shalt  }
0x46: {  	_ =	shalt  }
0x47: {  	_ =	shalt  }
0x48: {  	_ =	shalt  }
0x49: {  	_ =	shalt  }
0x4a: {  	_ =	shalt  }
0x4b: {  	_ =	shalt  }
0x4c: {  	_ =	shalt  }
0x4d: {  	_ =	shalt  }
0x4e: {  	_ =	shalt  }
0x4f: {  	_ =	shalt  }
0x50: {  	_ =	shalt  }
0x51: {  	_ =	shalt  }
0x52: {  	_ =	shalt  }
0x53: {  	_ =	shalt  }
0x54: {  	_ =	shalt  }
0x55: {  	_ =	shalt  }
0x56: {  	_ =	shalt  }
0x57: {  	_ =	shalt  }
0x58: {  	_ =	shalt  }
0x59: {  	_ =	shalt  }
0x5a: {  	_ =	shalt  }
0x5b: {  	_ =	shalt  }
0x5c: {  	_ =	shalt  }
0x5d: {  	_ =	shalt  }
0x5e: {  	_ =	shalt  }
0x5f: {  	_ =	shalt  }
0x60: {  	_ =	shalt  }
0x61: {  	_ =	shalt  }
0x62: {  	_ =	shalt  }
0x63: {  	_ =	shalt  }
0x64: {  	_ =	shalt  }
0x65: {  	_ =	shalt  }
0x66: {  	_ =	shalt  }
0x67: {  	_ =	shalt  }
0x68: {  	_ =	shalt  }
0x69: {  	_ =	shalt  }
0x6a: {  	_ =	shalt  }
0x6b: {  	_ =	shalt  }
0x6c: {  	_ =	shalt  }
0x6d: {  	_ =	shalt  }
0x6e: {  	_ =	shalt  }
0x6f: {  	_ =	shalt  }
0x70: {  	_ =	shalt  }
0x71: {  	_ =	shalt  }
0x72: {  	_ =	shalt  }
0x73: {  	_ =	shalt  }
0x74: {  	_ =	shalt  }
0x75: {  	_ =	shalt  }
0x76: {  	_ =	shalt  }
0x77: {  	_ =	shalt  }
0x78: {  	_ =	shalt  }
0x79: {  	_ =	shalt  }
0x7a: {  	_ =	shalt  }
0x7b: {  	_ =	shalt  }
0x7c: {  	_ =	shalt  }
0x7d: {  	_ =	shalt  }
0x7e: {  	_ =	shalt  }
0x7f: {  	_ =	shalt  }
0x80: {  	_ =	shalt  }
0x81: {  	_ =	shalt  }
0x82: {  	_ =	shalt  }
0x83: {  	_ =	shalt  }
0x84: {  	_ =	shalt  }
0x85: {  	_ =	shalt  }
0x86: {  	_ =	shalt  }
0x87: {  	_ =	shalt  }
.Lfunc_end0:
.L_simem_size_0:
called_computation.2_lowered:
.L_overlay_start_0:
0x88: {  	s2 =	sld [smem:$0x3FD9]  }
0x89: {  	s3 =	sld [smem:$0x3FFE];
	_ =	sdelay $0x1  }
0x8a: {  	s1 =	srdreg.scid  }
0x8b: {  	s0 =	sand.u32 $0x1, s1  }
0x8c: {  	s17 =	sshll.u32 s0, $0xA;
	s2 =	sadd.s32 s3, s2  }
0x8d: {  	s2 =	sadd.s32 s2, s17  }
0x8e: {  	[smem:$0x3FC2] =	sst s2  }
0x8f: {  	_ = 	snop  }
0x90: {  	s2 =	sld [smem:$0x3FD0];
	(tm) =	ssettm $0x1  }
0x91: {  	s18 =	sld [smem:$0x3FFB];
	_ =	sdelay $0x3  }
0x92: {  	_ =	strace s18  }
0x93: {  	s3 =	sld [smem:$0x3FFC];
	_ =	sdelay $0x3  }
0x94: {  	_ =	strace s3  }
0x95: {  	s3 =	sld [smem:$0x3FFD];
	_ =	sdelay $0x3  }
0x96: {  	_ =	strace s3  }
0x97: {  	_ =	strace $0x8FFFFFFF  }
0x98: {  	s19 =	sld [smem:$0x3FDB];
	_ =	sdelay $0x1  }
0x99: {  	s4 =	simm.s32 $_scs_section_size  }
0x9a: {  	s5 =	simm.s32 $_size__tile_overlayer_lowered;
	s6 =	simm.s32 $_tile_overlayer_lowered  }
0x9b: {  	s22 =	simm.s32 $0x1BFF;
	s21 =	sshll.u32 s6, $0x1;
	s3 =	sadd.s32 s4, s19  }
0x9c: {  	s7 =	simm.s32 $0x0;
	s20 =	sshll.u32 s5, $0x1;
	s5 =	sadd.s32 s21, s3  }
0x9d: {  	[timem:s7], [sflag:s22] =	dma.local [hbm:s5], s20  }
0x9e: {  	_ =	swait.ge [sflag:s22], s20  }
0x9f: {  	s4 =	ssub.s32 $0x0, s20;
	[sflag:s22] =	ssyncset.done $0x0  }
0xa0: {  	[sflag:s22] =	ssyncadd.s32 s4;
	_ =	sdelay $0x1  }
0xa1: {  	s23 =	simm.s32 $0x1B8B  }
0xa2: {  	_ =	swait.ge [sflag:s23], $0x1  }
0xa3: {  	[sflag:s23] =	ssyncset.done $0x0  }
0xa4: {  	s25 =	simm.s32 $0x1B8E;
	s24 =	sld [smem:$0x3FFE];
	[sflag:s23] =	ssyncadd.s32 $0xFFFFFFFF  }
0xa5: {  	s26 =	simm.s32 $execute0_lowered;
	[smem:$0x3FD2] =	sst s25  }
0xa6: {  	s5 =	sshll.u32 s26, $0x1;
	_ =	strace $0x8000004C;
	[dreg:$0x1] =	wrdreg $0xFFFFFFFF  }
0xa7: {  	s28 =	simm.s32 $_size_execute0_lowered;
	s3 =	sadd.s32 s3, s5;
	[dreg:$0x0] =	wrdreg $0x0  }
0xa8: {  	s5 =	sshll.u32 s28, $0x1;
	[dreg:$0x2] =	wrdreg s3  }
0xa9: {  	[dreg:$0x3] =	wrdreg s5  }
0xaa: {  	[dreg:$0x4] =	wrdreg $0xC0  }
0xab: {  	_ =	task [dreg:s7], $0x5FFFF  }
0xac: {  	[dreg:$0x1] =	wrdreg $0xFFFFFFFF  }
0xad: {  	[dreg:$0x0] =	wrdreg $0x60  }
0xae: {  	[dreg:$0x2] =	wrdreg s2  }
0xaf: {  	[dreg:$0x3] =	wrdreg s24  }
0xb0: {  	[dreg:$0x4] =	wrdreg $0xB0000  }
0xb1: {  	[dreg:$0x5] =	wrdreg $0x9  }
0xb2: {  	_ =	task.clear_ibuf [dreg:s7], $0x6FFFF;
	_ =	strace $0x9000004C  }
0xb3: {  	s29 =	simm.s32 $0x9;
	_ =	strace $0x8000004E  }
0xb4: {  	_ =	swait.ge [sflag:s29], $0x1  }
0xb5: {  	[sflag:s29] =	ssyncadd.s32 $0xFFFFFFFF  }
0xb6: {  	_ =	strace $0x9000004E  }
0xb7: {  	_ =	sfence  }
0xb8: {  	s30 =	sld [smem:$0x0];
	_ =	sdelay $0x2  }
0xb9: {  	s31 =	sshll.u32 s1, $0xD;
	s1 =	sshrl.u32 s1, $0x2  }
0xba: {  	s3 =	sand.u32 $0x4000, s31;
	s1 =	sadd.s32 s1, s30  }
0xbb: {  	s0 =	sor.u32 s3, s0;
	s1 =	sshll.u32 s1, $0x11  }
0xbc: {  	s0 =	sor.u32 s1, s0  }
0xbd: {  	s0 =	sadd.s32 $0x8F2B, s0  }
0xbe: {  	[sflag:s0] =	ssyncadd.remote.s32 $0x1  }
0xbf: {  	_ =	sfence.sel $0xFFFF  }
0xc0: {  	[dreg:$0x0] =	wrdreg $0xFFFFFFFF;
	(pc) =	sbr.abs _section_cstart, $3  }
0xc1: {  	[dreg:$0x1] =	wrdreg $0xFFFFFFFF  }
0xc2: {  	_ =	task.clear_ibuf [dreg:s7], $0x2FFFF;
	_ =	strace $0x9FFFFFFF  }
0xc3: {  	(tm) =	ssettm $0x7FFFFFFF  }
tec
execute0_lowered:
.L_overlay_start_1:
0x0: {  	(tag) =	ssettag $0x1  }
0x1: {  	s1 =	rddreg [dreg:$0x0]  }
0x2: {  	s0 =	rddreg [dreg:$0x1]  }
0x3: {  	s3 =	rddreg [dreg:$0x2];
	s2 =	srdreg.scid  }
0x4: {  	s8 =	stileid.u32;
	s4 =	simm.s32 $0x0;
	s19 =	simm.s32 $0x5000  }
0x5: {  	s20 =	simm.s32 $0x40;
	s23 =	simm.s32 $0x1;
	s24 =	simm.s32 $0x2  }
0x6: {  	s25 =	simm.s32 $0x0;
	s2 =	sand.u32 $0x1, s2;
	s7 =	smul.u32 $0x14000, s8  }
0x7: {  	s5 =	sshll.u32 s8, $0x1;
	[smem:$0x7FF] =	sst s4;
	s26 =	smul.u32 $0x50000, s8  }
0x8: {  	s6 =	smul.u32 $0x140000, s2;
	s5 =	sor.u32 s2, s5;
	s2 =	ssub.s32 $0x2, s2  }
0x9: {  	_ =	strace $0x8000004D;
	s5 =	smul.u32 $0x500, s5;
	s30 =	sshrl.u32 s2, $0x1  }
0xa: {  	s6 =	sadd.s32 s7, s6;
	s2 =	ssub.s32 s2, s30;
	s7 =	sshrl.u32 s26, $0x2  }
0xb: {  	s28 =	sadd.s32 s5, s0;
	s29 =	sshrl.u32 s6, $0x3;
	s7 =	sadd.s32 s7, s3  }
0xc: {  	s9 =	smax.u32 s2, $0x1;
	s0 =	sadd.s32 s29, s0;
	s31 =	sadd.s32 $0xD000, s28  }
0xd: {  	s6 =	sadd.s32 $0x3000, s28;
	s10 =	sadd.s32 $0x2000, s7;
	s11 =	sadd.s32 $0x4000, s7  }
0xe: {  	s12 =	sadd.s32 $0x6000, s7;
	s13 =	sadd.s32 $0x8000, s7;
	s14 =	sadd.s32 $0xA000, s7  }
0xf: {  	s15 =	sadd.s32 $0xC000, s7;
	s16 =	sadd.s32 $0xE000, s7;
	s17 =	sadd.s32 $0x10000, s7  }
0x10: {  	v0 =	vimm.f32 $0.0e+00;
	s18 =	sadd.s32 $0x12000, s7;
	[dreg:$0x4] =	wrdreg s31;
	s8 =	sadd.s32 $0x17000, s0  }
.LBB2_1:
0x11: {  	s26 =	simm.s32 $0x0;
	s28 =	simm.s32 $0x200  }
.LBB2_2:
0x12: {  	p0 =	sne.s32 s28, $0x7E00;
	[tilespmem:s26+$0x5070] =	vst v0  }
0x13: {  	[tilespmem:s26+$0x5000] =	vst v0  }
0x14: {  	[tilespmem:s26+$0x5010] =	vst v0  }
.Ltmp0:
0x15: {  	[tilespmem:s26+$0x5020] =	vst v0;
	(pc) =	sbr.rel @p0 .LBB2_2-.Ltmp0, $4  }
0x16: {  	[tilespmem:s26+$0x5030] =	vst v0  }
0x17: {  	[tilespmem:s26+$0x5040] =	vst v0  }
0x18: {  	[tilespmem:s26+$0x5050] =	vst v0  }
0x19: {  	[tilespmem:s26+$0x5060] =	vst v0;
	s26 =	sshra.s32 s28, $0x2;
	s28 =	sadd.s32 $0x200, s28  }
0x1a: {  	[tilespmem:s26+$0x5070] =	vst v0  }
0x1b: {  	[tilespmem:s26+$0x5000] =	vst v0  }
0x1c: {  	[tilespmem:s26+$0x5010] =	vst v0  }
0x1d: {  	[tilespmem:s26+$0x5020] =	vst v0  }
0x1e: {  	[tilespmem:s26+$0x5030] =	vst v0  }
0x1f: {  	[tilespmem:s26+$0x5040] =	vst v0  }
0x20: {  	[tilespmem:s26+$0x5050] =	vst v0  }
0x21: {  	[tilespmem:s26+$0x5060] =	vst v0;
	s0 =	rddreg [dreg:$0x4]  }
0x22: {  	[tilespmem:s4], [sflag:$0x2] =	stream.linear.gather [hbm4b:s0+s4], $0x2800, $0x38;
	[tilespmem:$0x1F000] =	vst v63  }
0x23: {  	s0 =	simm.s32 $0x2  }
0x24: {  	_ =	swait.ge [sflag:s0], $0x2800  }
0x25: {  	[sflag:s0] =	ssyncset.done $0x0  }
0x26: {  	s26 =	simm.s32 $0x2800;
	[sflag:s0] =	ssyncadd.s32 $0xFFFFD800  }
0x27: {  	[tilespmem:s26], [sflag:$0x2] =	stream.linear.gather [hbm4b:s6+s4], $0x2800, $0x38;
	[tilespmem:$0x1F000] =	vst v63  }
0x28: {  	_ =	swait.ge [sflag:s0], $0x2800  }
0x29: {  	[sflag:s0] =	ssyncset.done $0x0  }
0x2a: {  	[sflag:s0] =	ssyncadd.s32 $0xFFFFD800  }
0x2b: {  	[spmem:s7] =	stream.linear.scatter [tilespmem:s19], [sflag:$0x2], $0x2000, $0x38;
	[tilespmem:$0x1F000] =	vst v63  }
0x2c: {  	_ =	swait.ge [sflag:s0], $0x2000  }
0x2d: {  	[sflag:s0] =	ssyncset.done $0x0  }
0x2e: {  	[sflag:s0] =	ssyncadd.s32 $0xFFFFE000  }
0x2f: {  	[spmem:s10] =	stream.linear.scatter [tilespmem:s19], [sflag:$0x2], $0x2000, $0x38;
	[tilespmem:$0x1F000] =	vst v63  }
0x30: {  	_ =	swait.ge [sflag:s0], $0x2000  }
0x31: {  	[sflag:s0] =	ssyncset.done $0x0  }
0x32: {  	[sflag:s0] =	ssyncadd.s32 $0xFFFFE000  }
0x33: {  	[spmem:s11] =	stream.linear.scatter [tilespmem:s19], [sflag:$0x2], $0x2000, $0x38;
	[tilespmem:$0x1F000] =	vst v63  }
0x34: {  	_ =	swait.ge [sflag:s0], $0x2000  }
0x35: {  	[sflag:s0] =	ssyncset.done $0x0  }
0x36: {  	[sflag:s0] =	ssyncadd.s32 $0xFFFFE000  }
0x37: {  	[spmem:s12] =	stream.linear.scatter [tilespmem:s19], [sflag:$0x2], $0x2000, $0x38;
	[tilespmem:$0x1F000] =	vst v63  }
0x38: {  	_ =	swait.ge [sflag:s0], $0x2000  }
0x39: {  	[sflag:s0] =	ssyncset.done $0x0  }
0x3a: {  	[sflag:s0] =	ssyncadd.s32 $0xFFFFE000  }
0x3b: {  	[spmem:s13] =	stream.linear.scatter [tilespmem:s19], [sflag:$0x2], $0x2000, $0x38;
	[tilespmem:$0x1F000] =	vst v63  }
0x3c: {  	_ =	swait.ge [sflag:s0], $0x2000  }
0x3d: {  	[sflag:s0] =	ssyncset.done $0x0  }
0x3e: {  	[sflag:s0] =	ssyncadd.s32 $0xFFFFE000  }
0x3f: {  	[spmem:s14] =	stream.linear.scatter [tilespmem:s19], [sflag:$0x2], $0x2000, $0x38;
	[tilespmem:$0x1F000] =	vst v63  }
0x40: {  	_ =	swait.ge [sflag:s0], $0x2000  }
0x41: {  	[sflag:s0] =	ssyncset.done $0x0  }
0x42: {  	[sflag:s0] =	ssyncadd.s32 $0xFFFFE000  }
0x43: {  	[spmem:s15] =	stream.linear.scatter [tilespmem:s19], [sflag:$0x2], $0x2000, $0x38;
	[tilespmem:$0x1F000] =	vst v63  }
0x44: {  	_ =	swait.ge [sflag:s0], $0x2000  }
0x45: {  	[sflag:s0] =	ssyncset.done $0x0  }
0x46: {  	[sflag:s0] =	ssyncadd.s32 $0xFFFFE000  }
0x47: {  	[spmem:s16] =	stream.linear.scatter [tilespmem:s19], [sflag:$0x2], $0x2000, $0x38;
	[tilespmem:$0x1F000] =	vst v63  }
0x48: {  	_ =	swait.ge [sflag:s0], $0x2000  }
0x49: {  	[sflag:s0] =	ssyncset.done $0x0  }
0x4a: {  	[sflag:s0] =	ssyncadd.s32 $0xFFFFE000  }
0x4b: {  	[spmem:s17] =	stream.linear.scatter [tilespmem:s19], [sflag:$0x2], $0x2000, $0x38;
	[tilespmem:$0x1F000] =	vst v63  }
0x4c: {  	_ =	swait.ge [sflag:s0], $0x2000  }
0x4d: {  	[sflag:s0] =	ssyncset.done $0x0  }
0x4e: {  	[sflag:s0] =	ssyncadd.s32 $0xFFFFE000  }
0x4f: {  	[spmem:s18] =	stream.linear.scatter [tilespmem:s19], [sflag:$0x2], $0x2000, $0x38;
	[tilespmem:$0x1F000] =	vst v63  }
0x50: {  	_ =	swait.ge [sflag:s0], $0x2000  }
0x51: {  	[sflag:s0] =	ssyncset.done $0x0  }
0x52: {  	p0 =	por $0x0, $0x0;
	[sflag:s0] =	ssyncadd.s32 $0xFFFFE000  }
0x53: {  	s2 =	simm.s32 $0x80;
	s0 =	smul.u32 @!p0 $0xAB, s0;
	[bflag:$0x0] =	sbarrier.arrive $0xFFFF  }
0x54: {  	[tilespmem:s19], [sflag:$0x1] =	stream.indirect.gather [hbm4b:s1+s20], $0x80, s4, s20, $0xb8;
	[tilespmem:$0x1F000] =	vst v63  }
0x55: {  	s5 =	simm.s32 $0x7000;
	s21 =	simm.s32 $0x0;
	s0 =	sshrl.u32 @!p0 s0, $0x9  }
0x56: {  	[tilespmem:s5], [sflag:$0x1] =	stream.indirect.gather [hbm4b:s1+s20], $0x80, s2, s20, $0xb8;
	[tilespmem:$0x1F000] =	vst v63  }
0x57: {  	s0 =	sand.u32 @!p0 $0x7F, s0;
	s2 =	smul.u32 $0xAB, s21  }
0x58: {  	s0 =	smul.u32 @!p0 $0x3, s0  }
0x59: {  	s2 =	sshrl.u32 s2, $0x9  }
0x5a: {  	s28 =	simm.s32 $0x100;
	s0 =	ssub.s32 @!p0 $0x2, s0;
	s2 =	sand.u32 $0x7F, s2  }
0x5b: {  	_ =	swait.ge [sflag:s23], $0x2000;
	s0 =	sand.u32 @!p0 $0xFF, s0;
	s2 =	smul.u32 $0x3, s2  }
0x5c: {  	s29 =	simm.s32 @!p0 $0x40;
	[sflag:s23] =	ssyncset.done $0x0;
	s0 =	sshll.u32 @!p0 s0, $0xD  }
0x5d: {  	[sflag:s23] =	ssyncadd.s32 $0xFFFFE000;
	s0 =	sadd.s32 @!p0 $0x5000, s0;
	s2 =	ssub.s32 $0x0, s2  }
0x5e: {  	[tilespmem:s0], [sflag:$0x1] =	stream.indirect.gather @!p0 [hbm4b:s1+s29], $0x80, s28, s29, $0xb8;
	[tilespmem:$0x1F000] =	vst v63  }
0x5f: {  	s30 =	simm.s32 $0x1;
	s29 =	simm.s32 $0x3;
	s2 =	sand.u32 $0xFF, s2  }
0x60: {  	s0 =	smul.u32 $0xAB, s30;
	p0 =	por $0x0, $0x0;
	s2 =	sshll.u32 s2, $0xD  }
0x61: {  	s22 =	sadd.s32 $0x5000, s2;
	s2 =	smul.u32 @!p0 $0xAB, s29  }
0x62: {  	[spmem:s3] =	stream.indirect.scatter.add.f32 [tilespmem:s22], [sflag:$0x2], $0x80, s26, s20, $0xb8;
	[tilespmem:$0x1F000] =	vst v63  }
0x63: {  	s31 =	simm.s32 $0x4;
	s28 =	simm.s32 $0x180;
	s26 =	simm.s32 $0x2880  }
.LBB2_4:
0x64: {  	s0 =	sshrl.u32 s0, $0x9;
	s2 =	sshrl.u32 @!p0 s2, $0x9  }
0x65: {  	_ =	swait.ge [sflag:s24], $0x2000;
	s21 =	smov.u32 s31;
	s22 =	smov.u32 s26  }
0x66: {  	s0 =	sand.u32 $0x7F, s0;
	s2 =	sand.u32 @!p0 $0x7F, s2;
	[sflag:s24] =	ssyncset.done $0x0  }
0x67: {  	s31 =	sadd.s32 $0x1, s31;
	s2 =	smul.u32 @!p0 $0x3, s2;
	[sflag:s24] =	ssyncadd.s32 $0xFFFFE000  }
0x68: {  	p1 =	sne.s32 s31, $0x52;
	s0 =	smul.u32 $0x3, s0  }
0x69: {  	s5 =	simm.s32 @!p0 $0x40;
	s2 =	ssub.s32 @!p0 s29, s2;
	s29 =	smov.u32 s21  }
0x6a: {  	s0 =	ssub.s32 s30, s0;
	_ =	swait.ge [sflag:s23], $0x2000;
	s2 =	sand.u32 @!p0 $0xFF, s2  }
0x6b: {  	s0 =	sand.u32 $0xFF, s0;
	[sflag:s23] =	ssyncset.done $0x0;
	s2 =	sshll.u32 @!p0 s2, $0xD  }
0x6c: {  	s21 =	sshll.u32 s0, $0xD;
	[sflag:s23] =	ssyncadd.s32 $0xFFFFE000;
	s0 =	sadd.s32 @!p0 $0x5000, s2  }
0x6d: {  	[tilespmem:s0], [sflag:$0x1] =	stream.indirect.gather @!p0 [hbm4b:s1+s5], $0x80, s28, s5, $0xb8;
	[tilespmem:$0x1F000] =	vst v63  }
.Ltmp1:
0x6e: {  	_ = 	snop;
	(pc) =	sbr.rel @p1 .LBB2_4-.Ltmp1, $4  }
0x6f: {  	s30 =	sadd.s32 $0xFFFFFFFE, s29  }
0x70: {  	s0 =	smul.u32 $0xAB, s30;
	p0 =	sgt.u32 s30, $0x4D;
	s5 =	sadd.s32 $0x5000, s21  }
0x71: {  	s26 =	sadd.s32 $0x80, s26;
	s28 =	sadd.s32 $0x80, s28;
	s2 =	smul.u32 @!p0 $0xAB, s29  }
0x72: {  	[spmem:s3] =	stream.indirect.scatter.add.f32 [tilespmem:s5], [sflag:$0x2], $0x80, s22, s20, $0xb8;
	[tilespmem:$0x1F000] =	vst v63  }
0x73: {  	s2 =	sshrl.u32 @!p0 s2, $0x9  }
0x74: {  	s0 =	sshrl.u32 s0, $0x9;
	s2 =	sand.u32 @!p0 $0x7F, s2  }
0x75: {  	_ =	swait.ge [sflag:s24], $0x2000;
	s0 =	sand.u32 $0x7F, s0;
	s2 =	smul.u32 @!p0 $0x3, s2  }
0x76: {  	[sflag:s24] =	ssyncset.done $0x0;
	s0 =	smul.u32 $0x3, s0  }
0x77: {  	s5 =	simm.s32 @!p0 $0x40;
	[sflag:s24] =	ssyncadd.s32 $0xFFFFE000;
	s2 =	ssub.s32 @!p0 s29, s2  }
0x78: {  	_ =	swait.ge [sflag:s23], $0x2000;
	s0 =	ssub.s32 s30, s0;
	s2 =	sand.u32 @!p0 $0xFF, s2  }
0x79: {  	[sflag:s23] =	ssyncset.done $0x0;
	s0 =	sand.u32 $0xFF, s0;
	s2 =	sshll.u32 @!p0 s2, $0xD  }
0x7a: {  	[sflag:s23] =	ssyncadd.s32 $0xFFFFE000;
	s0 =	sshll.u32 s0, $0xD;
	s2 =	sadd.s32 @!p0 $0x5000, s2  }
0x7b: {  	[tilespmem:s2], [sflag:$0x1] =	stream.indirect.gather @!p0 [hbm4b:s1+s5], $0x80, s28, s5, $0xb8;
	[tilespmem:$0x1F000] =	vst v63  }
0x7c: {  	s0 =	sadd.s32 $0x5000, s0  }
0x7d: {  	[spmem:s3] =	stream.indirect.scatter.add.f32 [tilespmem:s0], [sflag:$0x2], $0x80, s26, s20, $0xb8;
	[tilespmem:$0x1F000] =	vst v63  }
0x7e: {  	s31 =	sshrl.u32 s7, $0x3;
	_ =	swait.ge [sflag:s24], $0x2000  }
0x7f: {  	s25 =	sadd.s32 $0x1, s25;
	s30 =	stileid.u32;
	[sflag:s24] =	ssyncset.done $0x0  }
0x80: {  	p0 =	sne.s32 s25, s9;
	s0 =	sshll.u32 s30, $0x6;
	[sflag:s24] =	ssyncadd.s32 $0xFFFFE000  }
.Ltmp2:
0x81: {  	s0 =	sor.u32 $0x1C02, s0;
	[bflag:$0x0] =	sbarrier.arrive $0xFFFF;
	(pc) =	sbr.rel @p0 .LBB2_1-.Ltmp2, $4  }
0x82: {  	[hbm:s8], [sflag:s0] =	dma.local [spmem:s31], $0x2800  }
0x83: {  	_ =	swait.ge [sflag:s24], $0x2800  }
0x84: {  	[sflag:s24] =	ssyncset.done $0x0  }
0x85: {  	[sflag:s24] =	ssyncadd.s32 $0xFFFFD800  }
0x86: {  	_ =	sfence.sel $0x180000  }
0x87: {  	[bflag:$0x0] =	sbarrier.arrive $0xFFFF  }
0x88: {  	_ =	strace $0x9000004D  }
0x89: {  	s0 =	stileid.u32;
	[bflag:$0x2] =	sbarrier.arrive $0xFFFF  }
0x8a: {  	p0 =	sne.s32 s0, $0x0;
	s0 =	rddreg [dreg:$0x3]  }
0x8b: {  	s0 =	sadd.s32 @!p0 $0x100000, s0  }
0x8c: {  	[sflag:s0] =	ssyncadd.tile.s32 @!p0 $0x1;
	_ =	shalt  }
.Lfunc_end2:
_tile_overlayer_lowered:
.L_overlay_start_2:
0x8d: {  	(tag) =	ssettag $0x2  }
0x8e: {  	s0 =	rddreg [dreg:$0x0];
	s2 =	stileid.u32  }
0x8f: {  	s1 =	rddreg [dreg:$0x1];
	p0 =	sne.s32 s2, $0x0  }
0x90: {  	s3 =	rddreg [dreg:$0x2];
	[bflag:$0x3] =	sbarrier.arrive $0xFFFF;
	s2 =	simm.s32 @!p0 $0x1C02  }
0x91: {  	[timem:s3], [sflag:s2] =	dma.local @!p0 [hbm:s0], s1  }
0x92: {  	s0 =	simm.s32 @!p0 $0x2  }
0x93: {  	_ =	swait.ge @!p0 [sflag:s0], s1  }
0x94: {  	s1 =	ssub.s32 @!p0 $0x0, s1;
	[sflag:s0] =	ssyncset.done @!p0 $0x0  }
0x95: {  	[sflag:s0] =	ssyncadd.s32 @!p0 s1  }
0x96: {  	[bflag:$0x3] =	sbarrier.arrive $0xFFFF  }
0x97: {  	_ =	shalt  }

// kernel: kernel.8.cloned.1.call-start
scs
__scs_entry_jumppad:
0x0: {  	(pc) =	sbr.rel $0x88, $3  }
0x1: {  	(tag) =	ssettag $0x0;
	lr =	simm.s32 $0x1  }
0x2: {  	[smem:$0x3F9B] =	sst lr;
	_ =	strace $0xD0000000  }
0x3: {  	_ = 	snop  }
0x4: {  	_ = 	snop  }
0x5: {  	_ = 	snop  }
0x6: {  	_ = 	snop  }
0x7: {  	_ = 	snop  }
__scs_overlays_trampoline_lowered:
0x8: {  	[smem:$0x3FAA] =	sst s0  }
0x9: {  	[smem:$0x3FAB] =	sst s1  }
0xa: {  	[smem:$0x3FAC] =	sst s2  }
0xb: {  	[smem:$0x3FAD] =	sst s3  }
0xc: {  	[smem:$0x3FAE] =	sst s4  }
0xd: {  	[smem:$0x3FAF] =	sst s5  }
0xe: {  	[smem:$0x3FB0] =	sst s6  }
0xf: {  	[smem:$0x3FB1] =	sst s7  }
0x10: {  	[smem:$0x3FB2] =	sst s8  }
0x11: {  	[smem:$0x3FB3] =	sst s9;
	s0 =	simm.s32 @!p0 $0x0  }
0x12: {  	s1 =	sld [smem:$0x3F99];
	s0 =	simm.s32 @p0 $0x1  }
0x13: {  	[smem:$0x3FB4] =	sst s0;
	s0 =	simm.s32 @!p1 $0x0  }
0x14: {  	s2 =	sld [smem:$0x3F98];
	s0 =	simm.s32 @p1 $0x1  }
0x15: {  	[smem:$0x3FB5] =	sst s0;
	s0 =	simm.s32 @!p2 $0x0  }
0x16: {  	s3 =	sld [smem:$0x3FDB];
	s0 =	simm.s32 @p2 $0x1  }
0x17: {  	s4 =	simm.s32 $0x1BF5;
	[smem:$0x3FB7] =	sst s0  }
0x18: {  	s0 =	sld [smem:$0x3F9A];
	_ =	swait.ge [sflag:s4], $0x0  }
0x19: {  	s7 =	sld [smem:$0x3F9B]  }
0x1a: {  	s8 =	sadd.s32 $0xFFFFE003, lr  }
0x1b: {  	s9 =	sadd.s32 $0xFFFFFEF7, lr;
	s5 =	simm.s32 $0xFFFFFFFF;
	p2 =	slt.u32 s8, $0xFFFFF086  }
0x1c: {  	p1 =	slt.u32 s9, $0xF7A;
	s5 =	simm.s32 @!p2 $0x0  }
0x1d: {  	s5 =	simm.s32 @p1 $0x1;
	p0 =	seq.s32 s7, s2  }
0x1e: {  	s7 =	smul.u32 @!p0 $0xF7A, s2;
	p2 =	seq.s32 @!p0 s5, $0x0  }
0x1f: {  	s9 =	smul.u32 $0xF7A, s1;
	s8 =	simm.s32 @!p0 $0x1BF5;
	p2 =	por !p2, p0  }
0x20: {  	[sflag:s8] =	ssyncset.s32 @!p0 $0xFFFFF086;
	s6 =	sadd.s32 @!p0 s3, s7;
	s7 =	simm.s32 @!p0 $0x108  }
0x21: {  	s3 =	sadd.s32 s3, s9;
	s6 =	sadd.s32 @!p0 $0x88, s6;
	s7 =	simm.s32 @p2 $0x1082  }
0x22: {  	[simem:s7], [sflag:s8] =	dma.local @!p0 [hbm:s6], $0xF7A  }
0x23: {  	s9 =	sor.u32 $0xD0000000, s2;
	s6 =	simm.s32 $0x108;
	_ =	swait.ge @!p0 [sflag:s8], $0x0  }
0x24: {  	s3 =	sadd.s32 $0x88, s3;
	s6 =	simm.s32 @!p1 $0x1082;
	[sflag:s4] =	ssyncset.s32 $0xFFFFF086  }
0x25: {  	[simem:s6], [sflag:s4] =	dma.local [hbm:s3], $0xF7A  }
0x26: {  	[smem:$0x3F9B] =	sst s1;
	(tag) =	ssettag s2;
	_ =	strace s9  }
0x27: {  	s1 =	sld [smem:$0x3FAB]  }
0x28: {  	s2 =	sld [smem:$0x3FAC]  }
0x29: {  	s4 =	sld [smem:$0x3FAE]  }
0x2a: {  	p0 =	seq.s32 s5, $0x0;
	s5 =	sld [smem:$0x3FAF]  }
0x2b: {  	s6 =	sld [smem:$0x3FB0]  }
0x2c: {  	s7 =	sld [smem:$0x3FB1]  }
0x2d: {  	s3 =	simm.s32 $0x108;
	s8 =	sld [smem:$0x3FB2]  }
0x2e: {  	s3 =	simm.s32 @!p0 $0x1082;
	s9 =	sld [smem:$0x3FB3]  }
0x2f: {  	lr =	sadd.s32 s0, s3;
	s0 =	sld [smem:$0x3FAA]  }
0x30: {  	s3 =	sld [smem:$0x3FAD]  }
0x31: {  	[smem:$0x3FB6] =	sst s10  }
0x32: {  	s10 =	sld [smem:$0x3FB4];
	_ =	sdelay $0x3  }
0x33: {  	p0 =	seq.s32 s10, $0x1;
	s10 =	sld [smem:$0x3FB6];
	_ =	sdelay $0x3  }
0x34: {  	[smem:$0x3FB6] =	sst s10  }
0x35: {  	s10 =	sld [smem:$0x3FB5];
	_ =	sdelay $0x3  }
0x36: {  	p1 =	seq.s32 s10, $0x1;
	s10 =	sld [smem:$0x3FB6];
	_ =	sdelay $0x3  }
0x37: {  	[smem:$0x3FB6] =	sst s10  }
0x38: {  	s10 =	sld [smem:$0x3FB7]  }
0x39: {  	_ = 	snop;
	(pc) =	sbr.ind lr, $3  }
0x3a: {  	_ = 	snop  }
0x3b: {  	_ = 	snop  }
0x3c: {  	p2 =	seq.s32 s10, $0x1;
	s10 =	sld [smem:$0x3FB6]  }
0x3d: {  	_ =	shalt  }
0x3e: {  	_ =	shalt  }
0x3f: {  	_ =	shalt  }
0x40: {  	_ =	shalt  }
0x41: {  	_ =	shalt  }
0x42: {  	_ =	shalt  }
0x43: {  	_ =	shalt  }
0x44: {  	_ =	shalt  }
0x45: {  	_ =	shalt  }
0x46: {  	_ =	shalt  }
0x47: {  	_ =	shalt  }
0x48: {  	_ =	shalt  }
0x49: {  	_ =	shalt  }
0x4a: {  	_ =	shalt  }
0x4b: {  	_ =	shalt  }
0x4c: {  	_ =	shalt  }
0x4d: {  	_ =	shalt  }
0x4e: {  	_ =	shalt  }
0x4f: {  	_ =	shalt  }
0x50: {  	_ =	shalt  }
0x51: {  	_ =	shalt  }
0x52: {  	_ =	shalt  }
0x53: {  	_ =	shalt  }
0x54: {  	_ =	shalt  }
0x55: {  	_ =	shalt  }
0x56: {  	_ =	shalt  }
0x57: {  	_ =	shalt  }
0x58: {  	_ =	shalt  }
0x59: {  	_ =	shalt  }
0x5a: {  	_ =	shalt  }
0x5b: {  	_ =	shalt  }
0x5c: {  	_ =	shalt  }
0x5d: {  	_ =	shalt  }
0x5e: {  	_ =	shalt  }
0x5f: {  	_ =	shalt  }
0x60: {  	_ =	shalt  }
0x61: {  	_ =	shalt  }
0x62: {  	_ =	shalt  }
0x63: {  	_ =	shalt  }
0x64: {  	_ =	shalt  }
0x65: {  	_ =	shalt  }
0x66: {  	_ =	shalt  }
0x67: {  	_ =	shalt  }
0x68: {  	_ =	shalt  }
0x69: {  	_ =	shalt  }
0x6a: {  	_ =	shalt  }
0x6b: {  	_ =	shalt  }
0x6c: {  	_ =	shalt  }
0x6d: {  	_ =	shalt  }
0x6e: {  	_ =	shalt  }
0x6f: {  	_ =	shalt  }
0x70: {  	_ =	shalt  }
0x71: {  	_ =	shalt  }
0x72: {  	_ =	shalt  }
0x73: {  	_ =	shalt  }
0x74: {  	_ =	shalt  }
0x75: {  	_ =	shalt  }
0x76: {  	_ =	shalt  }
0x77: {  	_ =	shalt  }
0x78: {  	_ =	shalt  }
0x79: {  	_ =	shalt  }
0x7a: {  	_ =	shalt  }
0x7b: {  	_ =	shalt  }
0x7c: {  	_ =	shalt  }
0x7d: {  	_ =	shalt  }
0x7e: {  	_ =	shalt  }
0x7f: {  	_ =	shalt  }
0x80: {  	_ =	shalt  }
0x81: {  	_ =	shalt  }
0x82: {  	_ =	shalt  }
0x83: {  	_ =	shalt  }
0x84: {  	_ =	shalt  }
0x85: {  	_ =	shalt  }
0x86: {  	_ =	shalt  }
0x87: {  	_ =	shalt  }
.Lfunc_end0:
.L_simem_size_0:
called_computation_lowered:
.L_overlay_start_0:
0x88: {  	s2 =	sld [smem:$0x3FD9]  }
0x89: {  	s3 =	sld [smem:$0x3FFE];
	_ =	sdelay $0x1  }
0x8a: {  	s1 =	srdreg.scid  }
0x8b: {  	s0 =	sand.u32 $0x1, s1  }
0x8c: {  	s17 =	sshll.u32 s0, $0xA;
	s2 =	sadd.s32 s3, s2  }
0x8d: {  	s2 =	sadd.s32 s2, s17  }
0x8e: {  	[smem:$0x3FC2] =	sst s2  }
0x8f: {  	_ = 	snop  }
0x90: {  	s2 =	sld [smem:$0x3FD0];
	(tm) =	ssettm $0x1  }
0x91: {  	s18 =	sld [smem:$0x3FFB];
	_ =	sdelay $0x3  }
0x92: {  	_ =	strace s18  }
0x93: {  	s3 =	sld [smem:$0x3FFC];
	_ =	sdelay $0x3  }
0x94: {  	_ =	strace s3  }
0x95: {  	s3 =	sld [smem:$0x3FFD];
	_ =	sdelay $0x3  }
0x96: {  	_ =	strace s3  }
0x97: {  	_ =	strace $0x8FFFFFFF  }
0x98: {  	s19 =	sld [smem:$0x3FDB];
	_ =	sdelay $0x1  }
0x99: {  	s4 =	simm.s32 $_scs_section_size  }
0x9a: {  	s5 =	simm.s32 $_size__tile_overlayer_lowered;
	s6 =	simm.s32 $_tile_overlayer_lowered  }
0x9b: {  	s22 =	simm.s32 $0x1BFF;
	s21 =	sshll.u32 s6, $0x1;
	s3 =	sadd.s32 s4, s19  }
0x9c: {  	s7 =	simm.s32 $0x0;
	s20 =	sshll.u32 s5, $0x1;
	s5 =	sadd.s32 s21, s3  }
0x9d: {  	[timem:s7], [sflag:s22] =	dma.local [hbm:s5], s20  }
0x9e: {  	_ =	swait.ge [sflag:s22], s20  }
0x9f: {  	s4 =	ssub.s32 $0x0, s20;
	[sflag:s22] =	ssyncset.done $0x0  }
0xa0: {  	[sflag:s22] =	ssyncadd.s32 s4;
	_ =	sdelay $0x1  }
0xa1: {  	s23 =	simm.s32 $0x1B8B  }
0xa2: {  	_ =	swait.ge [sflag:s23], $0x1  }
0xa3: {  	[sflag:s23] =	ssyncset.done $0x0  }
0xa4: {  	s25 =	simm.s32 $0x1B8E;
	s24 =	sld [smem:$0x3FFE];
	[sflag:s23] =	ssyncadd.s32 $0xFFFFFFFF  }
0xa5: {  	s26 =	simm.s32 $execute0_lowered;
	[smem:$0x3FD2] =	sst s25  }
0xa6: {  	s5 =	sshll.u32 s26, $0x1;
	_ =	strace $0x80000046;
	[dreg:$0x1] =	wrdreg $0xFFFFFFFF  }
0xa7: {  	s28 =	simm.s32 $_size_execute0_lowered;
	s3 =	sadd.s32 s3, s5;
	[dreg:$0x0] =	wrdreg $0x0  }
0xa8: {  	s5 =	sshll.u32 s28, $0x1;
	[dreg:$0x2] =	wrdreg s3  }
0xa9: {  	[dreg:$0x3] =	wrdreg s5  }
0xaa: {  	[dreg:$0x4] =	wrdreg $0xC0  }
0xab: {  	_ =	task [dreg:s7], $0x5FFFF  }
0xac: {  	[dreg:$0x1] =	wrdreg $0xFFFFFFFF  }
0xad: {  	[dreg:$0x0] =	wrdreg $0x60  }
0xae: {  	[dreg:$0x2] =	wrdreg s2  }
0xaf: {  	[dreg:$0x3] =	wrdreg s24  }
0xb0: {  	[dreg:$0x4] =	wrdreg $0x17000  }
0xb1: {  	[dreg:$0x5] =	wrdreg $0x9  }
0xb2: {  	_ =	task.clear_ibuf [dreg:s7], $0x6FFFF;
	_ =	strace $0x90000046  }
0xb3: {  	s29 =	simm.s32 $0x9;
	_ =	strace $0x80000048  }
0xb4: {  	_ =	swait.ge [sflag:s29], $0x1  }
0xb5: {  	[sflag:s29] =	ssyncadd.s32 $0xFFFFFFFF  }
0xb6: {  	_ =	strace $0x90000048  }
0xb7: {  	_ =	sfence  }
0xb8: {  	s30 =	sld [smem:$0x0];
	_ =	sdelay $0x2  }
0xb9: {  	s31 =	sshll.u32 s1, $0xD;
	s1 =	sshrl.u32 s1, $0x2  }
0xba: {  	s3 =	sand.u32 $0x4000, s31;
	s1 =	sadd.s32 s1, s30  }
0xbb: {  	s0 =	sor.u32 s3, s0;
	s1 =	sshll.u32 s1, $0x11  }
0xbc: {  	s0 =	sor.u32 s1, s0  }
0xbd: {  	s0 =	sadd.s32 $0x8F2B, s0  }
0xbe: {  	[sflag:s0] =	ssyncadd.remote.s32 $0x1  }
0xbf: {  	_ =	sfence.sel $0xFFFF  }
0xc0: {  	[dreg:$0x0] =	wrdreg $0xFFFFFFFF;
	(pc) =	sbr.abs _section_cstart, $3  }
0xc1: {  	[dreg:$0x1] =	wrdreg $0xFFFFFFFF  }
0xc2: {  	_ =	task.clear_ibuf [dreg:s7], $0x2FFFF;
	_ =	strace $0x9FFFFFFF  }
0xc3: {  	(tm) =	ssettm $0x7FFFFFFF  }
tec
execute0_lowered:
.L_overlay_start_1:
0x0: {  	(tag) =	ssettag $0x1  }
0x1: {  	s4 =	rddreg [dreg:$0x0]  }
0x2: {  	s5 =	rddreg [dreg:$0x1]  }
0x3: {  	s2 =	rddreg [dreg:$0x2]  }
0x4: {  	s0 =	rddreg [dreg:$0x3]  }
0x5: {  	s3 =	simm.s32 $0x0;
	s6 =	srdreg.scid;
	s1 =	stileid.u32  }
0x6: {  	s11 =	simm.s32 $0x1400;
	s14 =	simm.s32 $0x20;
	s15 =	simm.s32 $0x10  }
0x7: {  	s16 =	simm.s32 $0x0;
	[smem:$0x7FF] =	sst s3;
	s7 =	smul.u32 $0x500, s1  }
0x8: {  	s6 =	sand.u32 $0x1, s6;
	s9 =	sshll.u32 s1, $0x1;
	s30 =	smul.u32 $0xA00, s1  }
0x9: {  	s12 =	sshll.u32 s1, $0x6;
	_ =	strace $0x80000047;
	s8 =	sshll.u32 s6, $0x7  }
0xa: {  	s29 =	sor.u32 s6, s9;
	s6 =	ssub.s32 $0x2, s6;
	s12 =	sor.u32 $0x1C01, s12  }
0xb: {  	s7 =	sor.u32 s8, s7;
	s8 =	smul.u32 $0x280, s29;
	s31 =	sshrl.u32 s6, $0x1  }
0xc: {  	s9 =	sshrl.u32 s30, $0x2;
	s7 =	sshrl.u32 s7, $0x3;
	s10 =	ssub.s32 s6, s31  }
0xd: {  	s7 =	sadd.s32 s7, s5;
	s4 =	sadd.s32 s4, s8;
	s5 =	sadd.s32 s9, s2  }
0xe: {  	s8 =	simm.s32 $0x1;
	s9 =	simm.s32 $0x1480;
	s6 =	sadd.s32 $0x2600, s7  }
0xf: {  	v0 =	vimm.f32 $1.000000000e+00;
	v1 =	vimm.f32 $0.0e+00;
	s7 =	smax.u32 s10, $0x1;
	s10 =	simm.s32 $0x80;
	s13 =	sshrl.u32 s5, $0x3  }
.LBB2_1:
0x10: {  	[tilespmem:$0x1400] =	vst v0  }
0x11: {  	[tilespmem:$0x1410] =	vst v0  }
0x12: {  	[tilespmem:$0x1420] =	vst v0  }
0x13: {  	[tilespmem:$0x1430] =	vst v0  }
0x14: {  	[tilespmem:$0x1440] =	vst v0  }
0x15: {  	[tilespmem:$0x1450] =	vst v0  }
0x16: {  	[tilespmem:$0x1460] =	vst v0  }
0x17: {  	[tilespmem:$0x1470] =	vst v0  }
0x18: {  	[tilespmem:$0x1480] =	vst v1  }
0x19: {  	[tilespmem:$0x1490] =	vst v1  }
0x1a: {  	[tilespmem:$0x14A0] =	vst v1  }
0x1b: {  	[tilespmem:$0x14B0] =	vst v1  }
0x1c: {  	[tilespmem:$0x14C0] =	vst v1  }
0x1d: {  	[tilespmem:$0x14D0] =	vst v1  }
0x1e: {  	[tilespmem:$0x14E0] =	vst v1  }
0x1f: {  	[tilespmem:$0x14F0] =	vst v1  }
0x20: {  	[tilespmem:$0x1500] =	vst v1  }
0x21: {  	[tilespmem:$0x1510] =	vst v1  }
0x22: {  	[tilespmem:$0x1520] =	vst v1  }
0x23: {  	[tilespmem:$0x1530] =	vst v1  }
0x24: {  	[tilespmem:$0x1540] =	vst v1  }
0x25: {  	[tilespmem:$0x1550] =	vst v1  }
0x26: {  	[tilespmem:$0x1560] =	vst v1  }
0x27: {  	[tilespmem:$0x1570] =	vst v1  }
0x28: {  	[tilespmem:$0x1580] =	vst v1  }
0x29: {  	[tilespmem:$0x1590] =	vst v1  }
0x2a: {  	[tilespmem:$0x15A0] =	vst v1  }
0x2b: {  	[tilespmem:$0x15B0] =	vst v1  }
0x2c: {  	[tilespmem:$0x15C0] =	vst v1  }
0x2d: {  	[tilespmem:$0x15D0] =	vst v1  }
0x2e: {  	[tilespmem:$0x15E0] =	vst v1  }
0x2f: {  	[tilespmem:$0x15F0] =	vst v1  }
0x30: {  	[tilespmem:$0x1600] =	vst v1  }
0x31: {  	[tilespmem:$0x1610] =	vst v1  }
0x32: {  	[tilespmem:$0x1620] =	vst v1  }
0x33: {  	[tilespmem:$0x1630] =	vst v1  }
0x34: {  	[tilespmem:$0x1640] =	vst v1  }
0x35: {  	[tilespmem:$0x1650] =	vst v1  }
0x36: {  	[tilespmem:$0x1660] =	vst v1  }
0x37: {  	[tilespmem:$0x1670] =	vst v1  }
0x38: {  	[tilespmem:$0x1680] =	vst v1  }
0x39: {  	[tilespmem:$0x1690] =	vst v1  }
0x3a: {  	[tilespmem:$0x16A0] =	vst v1  }
0x3b: {  	[tilespmem:$0x16B0] =	vst v1  }
0x3c: {  	[tilespmem:$0x16C0] =	vst v1  }
0x3d: {  	[tilespmem:$0x16D0] =	vst v1  }
0x3e: {  	[tilespmem:$0x16E0] =	vst v1  }
0x3f: {  	[tilespmem:$0x16F0] =	vst v1  }
0x40: {  	[tilespmem:s3], [sflag:$0x1] =	stream.linear.gather [hbm4b:s4+s3], $0x1400, $0x38;
	[tilespmem:$0x1980] =	vst v63  }
0x41: {  	_ =	swait.ge [sflag:s8], $0x1400  }
0x42: {  	[sflag:s8] =	ssyncset.done $0x0  }
0x43: {  	[sflag:s8] =	ssyncadd.s32 $0xFFFFEC00  }
0x44: {  	[spmem:s5] =	stream.linear.scatter [tilespmem:s9], [sflag:$0x1], $0x280, $0x38;
	[tilespmem:$0x1980] =	vst v63  }
0x45: {  	_ =	swait.ge [sflag:s8], $0x280  }
0x46: {  	[sflag:s8] =	ssyncset.done $0x0  }
0x47: {  	[sflag:s8] =	ssyncadd.s32 $0xFFFFFD80  }
0x48: {  	s17 =	simm.s32 $0x0;
	[bflag:$0x0] =	sbarrier.arrive $0xFFFF  }
0x49: {  	[spmem:s2] =	stream.indirect.scatter.add.f32 [tilespmem:s11], [sflag:$0x1], $0x1, s17, s10, $0xb8;
	[tilespmem:$0x1980] =	vst v63  }
0x4a: {  	_ =	swait.ge [sflag:s8], $0x80  }
0x4b: {  	s17 =	simm.s32 $0x200;
	[sflag:s8] =	ssyncset.done $0x0  }
.LBB2_2:
0x4c: {  	s18 =	sshra.s32 s17, $0x2;
	[sflag:s8] =	ssyncadd.s32 $0xFFFFFF80;
	p0 =	sne.s32 s17, $0x4E00  }
0x4d: {  	[spmem:s2] =	stream.indirect.scatter.add.f32 [tilespmem:s11], [sflag:$0x1], $0x1, s18, s10, $0xb8;
	[tilespmem:$0x1980] =	vst v63  }
.Ltmp0:
0x4e: {  	_ = 	snop;
	(pc) =	sbr.rel @p0 .LBB2_2-.Ltmp0, $4  }
0x4f: {  	_ = 	snop  }
0x50: {  	s17 =	sadd.s32 $0x200, s17  }
0x51: {  	_ =	swait.ge [sflag:s8], $0x80  }
0x52: {  	[sflag:s8] =	ssyncset.done $0x0  }
0x53: {  	s16 =	sadd.s32 $0x1, s16  }
0x54: {  	[sflag:s8] =	ssyncadd.s32 $0xFFFFFF80;
	p0 =	sne.s32 s16, s7  }
.Ltmp1:
0x55: {  	[bflag:$0x0] =	sbarrier.arrive $0xFFFF;
	(pc) =	sbr.rel @p0 .LBB2_1-.Ltmp1, $4  }
0x56: {  	[hbm:s6@s14], [sflag:s12] =	dma.strided [spmem:s13@s15], $0x50, s8, $0x10   }
0x57: {  	_ =	swait.ge [sflag:s8], $0x50  }
0x58: {  	[sflag:s8] =	ssyncset.done $0x0  }
0x59: {  	[sflag:s8] =	ssyncadd.s32 $0xFFFFFFB0  }
0x5a: {  	_ =	sfence.sel $0x180000  }
0x5b: {  	[bflag:$0x0] =	sbarrier.arrive $0xFFFF  }
0x5c: {  	p0 =	sne.s32 s1, $0x0;
	_ =	strace $0x90000047  }
0x5d: {  	s0 =	sadd.s32 @!p0 $0x100000, s0;
	[bflag:$0x2] =	sbarrier.arrive $0xFFFF  }
0x5e: {  	[sflag:s0] =	ssyncadd.tile.s32 @!p0 $0x1;
	_ =	shalt  }
.Lfunc_end2:
_tile_overlayer_lowered:
.L_overlay_start_2:
0x5f: {  	(tag) =	ssettag $0x2  }
0x60: {  	s0 =	rddreg [dreg:$0x0];
	s2 =	stileid.u32  }
0x61: {  	s1 =	rddreg [dreg:$0x1];
	p0 =	sne.s32 s2, $0x0  }
0x62: {  	s3 =	rddreg [dreg:$0x2];
	[bflag:$0x3] =	sbarrier.arrive $0xFFFF;
	s2 =	simm.s32 @!p0 $0x1C01  }
0x63: {  	[timem:s3], [sflag:s2] =	dma.local @!p0 [hbm:s0], s1  }
0x64: {  	s0 =	simm.s32 @!p0 $0x1  }
0x65: {  	_ =	swait.ge @!p0 [sflag:s0], s1  }
0x66: {  	s1 =	ssub.s32 @!p0 $0x0, s1;
	[sflag:s0] =	ssyncset.done @!p0 $0x0  }
0x67: {  	[sflag:s0] =	ssyncadd.s32 @!p0 s1  }
0x68: {  	[bflag:$0x3] =	sbarrier.arrive $0xFFFF  }
0x69: {  	_ =	shalt  }

</sc_bundles>
